<compile_context>
chip_gen: v7x
topology: tpu7x:2x2x1
jax: 0.10.2.dev20260603
libtpu: 0.0.44.dev20260713+nightly
codegen_flags: <defaults>
</compile_context>

<pallas_src>
import functools

import jax
import jax.numpy as jnp
from jax import lax
from jax.experimental import pallas as pl
from jax.experimental.pallas import tpu as pltpu
from jax.experimental.pallas import tpu_sc as plsc

N_NODES = 10000
N_EDGES = 320000
D = 128
DH = D // 2

NC = 2
NS = 16
NW = NC * NS

CHUNK = 128
EDGES_PER_TILE = 20480
NCHUNKS = EDGES_PER_TILE // CHUNK
EPAD = NS * EDGES_PER_TILE

NPAD = 10240
ROWS_PER_TILE = NPAD // NS
SLABS = ROWS_PER_TILE // CHUNK
XROWS_PER_TILE = N_NODES // NS

NBUF = 4
IH = 40
NPIECES = NCHUNKS // IH


def _sc_scatter_body(src_hbm, dst_hbm, x_hbm, out_hbm,
                     src_v, dst_v, b0_v, b1_v, b2_v, b3_v, agg_sh, x_sh,
                     g0, g1, g2, g3, t0, t1, t2, t3):
    bufs = [b0_v, b1_v, b2_v, b3_v]
    gsems = [g0, g1, g2, g3]
    ssems = [t0, t1, t2, t3]
    c = lax.axis_index("c")
    s = lax.axis_index("s")

    xr0 = s * XROWS_PER_TILE
    pltpu.sync_copy(x_hbm.at[c].at[pl.ds(xr0, XROWS_PER_TILE)],
                    x_sh.at[pl.ds(xr0, XROWS_PER_TILE)])

    def zbody(i, _):
        b0_v[i // (DH // 16), pl.ds((i % (DH // 16)) * 16, 16)] = (
            jnp.zeros((16,), jnp.float32))
        return 0
    lax.fori_loop(0, CHUNK * (DH // 16), zbody, 0)

    def zslab(k, _):
        pltpu.sync_copy(b0_v,
                        agg_sh.at[pl.ds(s * ROWS_PER_TILE + k * CHUNK, CHUNK)])
        return 0
    lax.fori_loop(0, SLABS, zslab, 0)
    plsc.subcore_barrier()

    def g_start(j, b):
        pltpu.async_copy(x_sh.at[src_v.at[j]], bufs[b], gsems[b])

    def g_wait(j, b):
        pltpu.make_async_copy(x_sh.at[src_v.at[j]], bufs[b],
                              gsems[b]).wait()

    def s_start(j, b):
        pltpu.async_copy(bufs[b], agg_sh.at[dst_v.at[j]], ssems[b], add=True)

    def s_wait(j, b):
        pltpu.make_async_copy(bufs[b], agg_sh.at[dst_v.at[j]],
                              ssems[b]).wait()

    def piece(p, _):
        pltpu.sync_copy(src_hbm.at[s].at[pl.ds(p * IH, IH)], src_v)
        pltpu.sync_copy(dst_hbm.at[s].at[pl.ds(p * IH, IH)], dst_v)

        g_start(0, 0)
        g_start(1, 1)

        def ebody(i, _):
            j0 = i * NBUF
            for b in range(NBUF):
                j = j0 + b
                b2 = (b + 2) % NBUF
                g_wait(j, b)
                s_start(j, b)

                @pl.when(j >= 2)
                def _():
                    s_wait(j - 2, b2)

                @pl.when(j + 2 < IH)
                def _():
                    g_start(j + 2, b2)
            return 0
        lax.fori_loop(0, IH // NBUF, ebody, 0)
        s_wait(IH - 2, (IH - 2) % NBUF)
        s_wait(IH - 1, (IH - 1) % NBUF)
        return 0
    lax.fori_loop(0, NPIECES, piece, 0)
    plsc.subcore_barrier()

    row0 = s * ROWS_PER_TILE
    pltpu.sync_copy(agg_sh.at[pl.ds(row0, ROWS_PER_TILE)],
                    out_hbm.at[c].at[pl.ds(row0, ROWS_PER_TILE)])


@functools.cache
def _sc_scatter_kernel():
    return pl.kernel(
        _sc_scatter_body,
        out_type=jax.ShapeDtypeStruct((NC, NPAD, DH), jnp.float32),
        mesh=plsc.VectorSubcoreMesh(core_axis_name="c", subcore_axis_name="s",
                                    num_cores=NC, num_subcores=NS),
        scratch_types=[
            pltpu.VMEM((IH, CHUNK), jnp.int32),
            pltpu.VMEM((IH, CHUNK), jnp.int32),
            pltpu.VMEM((CHUNK, DH), jnp.float32),
            pltpu.VMEM((CHUNK, DH), jnp.float32),
            pltpu.VMEM((CHUNK, DH), jnp.float32),
            pltpu.VMEM((CHUNK, DH), jnp.float32),
            pltpu.VMEM_SHARED((NPAD, DH), jnp.float32),
            pltpu.VMEM_SHARED((N_NODES, DH), jnp.float32),
        ] + [pltpu.SemaphoreType.DMA] * 8,
        compiler_params=pltpu.CompilerParams(use_tc_tiling_on_sc=False),
    )


def _sc_scatter(src3, dst3, x_split):
    return _sc_scatter_kernel()(src3, dst3, x_split)


def _tc_layer_body(agg_ref, x_ref, wrel_a_ref, wrel_b_ref, wroot_ref, b_ref,
                   o_ref, osplit_ref):
    acc = jnp.dot(agg_ref[0], wrel_a_ref[...],
                  preferred_element_type=jnp.float32)
    acc = acc + jnp.dot(agg_ref[1], wrel_b_ref[...],
                        preferred_element_type=jnp.float32)
    acc = acc + jnp.dot(x_ref[...], wroot_ref[...],
                        preferred_element_type=jnp.float32)
    acc = jnp.maximum(acc + b_ref[...], 0.0)
    o_ref[...] = acc
    if osplit_ref is not None:
        osplit_ref[0] = acc[:, :DH]
        osplit_ref[1] = acc[:, DH:]


def _tc_layer(agg, x, wrel_t, wroot_t, b, want_split):
    nb, bl = 5, N_NODES // 5
    out_shape = [jax.ShapeDtypeStruct((N_NODES, D), jnp.float32)]
    out_specs = [pl.BlockSpec((bl, D), lambda i: (i, 0))]
    if want_split:
        out_shape.append(jax.ShapeDtypeStruct((NC, N_NODES, DH), jnp.float32))
        out_specs.append(pl.BlockSpec((NC, bl, DH), lambda i: (0, i, 0)))
        body = _tc_layer_body
    else:
        body = functools.partial(_tc_layer_body, osplit_ref=None)
    return pl.pallas_call(
        body,
        grid=(nb,),
        in_specs=[
            pl.BlockSpec((NC, bl, DH), lambda i: (0, i, 0)),
            pl.BlockSpec((bl, D), lambda i: (i, 0)),
            pl.BlockSpec((DH, D), lambda i: (0, 0)),
            pl.BlockSpec((DH, D), lambda i: (0, 0)),
            pl.BlockSpec((D, D), lambda i: (0, 0)),
            pl.BlockSpec((1, D), lambda i: (0, 0)),
        ],
        out_specs=out_specs,
        out_shape=out_shape,
    )(agg, x, wrel_t[:DH], wrel_t[DH:], wroot_t, b)


def kernel(x, edge_index, W1_rel, b1, W1_root, W2_rel, b2, W2_root):
    ei = edge_index.astype(jnp.int32)
    pad = EPAD - N_EDGES
    src3 = jnp.concatenate(
        [ei[0], jnp.zeros((pad,), jnp.int32)]).reshape(NS, NCHUNKS, CHUNK)
    dst3 = jnp.concatenate(
        [ei[1], jnp.full((pad,), NPAD - 1, jnp.int32)]).reshape(NS, NCHUNKS, CHUNK)

    x_split = x.reshape(N_NODES, NC, DH).transpose(1, 0, 2)
    agg1 = _sc_scatter(src3, dst3, x_split)
    h, h_split = _tc_layer(agg1, x, W1_rel.T, W1_root.T, b1.reshape(1, -1),
                           want_split=True)
    agg2 = _sc_scatter(src3, dst3, h_split)
    (out,) = _tc_layer(agg2, h, W2_rel.T, W2_root.T, b2.reshape(1, -1),
                       want_split=False)
    return out

# --- scband reference (transcript-rebuilt; emitter-appended) ---
"""Pipeline reference for scband-graphgnn-68453188764141 (READ-ONLY COPY).

The authoritative reference and input builder live on the scoring server;
editing this copy changes nothing except your own understanding.
"""

import jax, jax.numpy as jnp
import numpy as np

N_NODES = 10000
N_EDGES = 320000
D_FEAT = 128
D_HID = 128
D_OUT = 128


def setup_inputs(seed: int = 0) -> dict:
    key = jax.random.key(seed)
    k = jax.random.split(key, 8)
    x = jax.random.normal(k[0], (N_NODES, D_FEAT), dtype=jnp.float32)
    edge_index = jax.random.randint(k[1], (2, N_EDGES), 0, N_NODES, dtype=jnp.int64)
    s1 = 1.0 / np.sqrt(D_FEAT)
    s2 = 1.0 / np.sqrt(D_HID)
    W1_rel = jax.random.uniform(k[2], (D_HID, D_FEAT), minval=-s1, maxval=s1, dtype=jnp.float32)
    b1 = jax.random.uniform(k[3], (D_HID,), minval=-s1, maxval=s1, dtype=jnp.float32)
    W1_root = jax.random.uniform(k[4], (D_HID, D_FEAT), minval=-s1, maxval=s1, dtype=jnp.float32)
    W2_rel = jax.random.uniform(k[5], (D_OUT, D_HID), minval=-s2, maxval=s2, dtype=jnp.float32)
    b2 = jax.random.uniform(k[6], (D_OUT,), minval=-s2, maxval=s2, dtype=jnp.float32)
    W2_root = jax.random.uniform(k[7], (D_OUT, D_HID), minval=-s2, maxval=s2, dtype=jnp.float32)
    return {"x": x, "edge_index": edge_index, "W1_rel": W1_rel, "b1": b1, "W1_root": W1_root, "W2_rel": W2_rel, "b2": b2, "W2_root": W2_root}


def _graph_conv(x, src, dst, W_rel, b, W_root, num_nodes):
    # PyG GraphConv (aggr='add'): out_i = W_rel @ sum_{j->i} x_j + b + W_root @ x_i
    msgs = jnp.take(x, src, axis=0)
    agg = jax.ops.segment_sum(msgs, dst, num_segments=num_nodes)
    return agg @ W_rel.T + b + x @ W_root.T


def reference(x, edge_index, W1_rel, b1, W1_root, W2_rel, b2, W2_root):
    src = edge_index[0]
    dst = edge_index[1]
    n = x.shape[0]
    h = _graph_conv(x, src, dst, W1_rel, b1, W1_root, n)
    h = jax.nn.relu(h)
    out = _graph_conv(h, src, dst, W2_rel, b2, W2_root, n)
    out = jax.nn.relu(out)
    return out

if __name__ == "__main__":
    import jax
    _d = setup_inputs()
    print(jax.jit(kernel)(*tuple(_d.values())))

</pallas_src>

<mosaic_0001>
#map = affine_map<(d0, d1) -> (0, 0, 0)>
module attributes {stable_mosaic.version = 14 : i64} {
  func.func @_sc_scatter_body(%arg0: i32, %arg1: i32, %arg2: memref<16x160x128xi32, #tpu.memory_space<hbm>>, %arg3: memref<16x160x128xi32, #tpu.memory_space<hbm>>, %arg4: memref<2x10000x64xf32, #tpu.memory_space<hbm>>, %arg5: memref<2x10240x64xf32, #tpu.memory_space<hbm>>, %arg6: memref<40x128xi32, #tpu.memory_space<vmem>>, %arg7: memref<40x128xi32, #tpu.memory_space<vmem>>, %arg8: memref<128x64xf32, #tpu.memory_space<vmem>>, %arg9: memref<128x64xf32, #tpu.memory_space<vmem>>, %arg10: memref<128x64xf32, #tpu.memory_space<vmem>>, %arg11: memref<128x64xf32, #tpu.memory_space<vmem>>, %arg12: memref<10240x64xf32, #tpu.memory_space<vmem_shared>>, %arg13: memref<10000x64xf32, #tpu.memory_space<vmem_shared>>, %arg14: memref<!tpu.dma_semaphore, #tpu.memory_space<semaphore_mem>>, %arg15: memref<!tpu.dma_semaphore, #tpu.memory_space<semaphore_mem>>, %arg16: memref<!tpu.dma_semaphore, #tpu.memory_space<semaphore_mem>>, %arg17: memref<!tpu.dma_semaphore, #tpu.memory_space<semaphore_mem>>, %arg18: memref<!tpu.dma_semaphore, #tpu.memory_space<semaphore_mem>>, %arg19: memref<!tpu.dma_semaphore, #tpu.memory_space<semaphore_mem>>, %arg20: memref<!tpu.dma_semaphore, #tpu.memory_space<semaphore_mem>>, %arg21: memref<!tpu.dma_semaphore, #tpu.memory_space<semaphore_mem>>) attributes {dimension_semantics = [#tpu.dimension_semantics<core_parallel>, #tpu.dimension_semantics<subcore_parallel>], iteration_bounds = array<i64: 2, 16>, scalar_prefetch = 0 : i64, scratch_operands = 16 : i64, tpu.core_type = #tpu.core_type<sc_vector_subcore>, window_params = [{transform_indices = #map}, {transform_indices = #map}, {transform_indices = #map}, {transform_indices = #map}]} {
    %mul3A = arith.constant 625 : i32
    %mul3A_0 = arith.muli %arg1, %mul3A : i32
    "tpu.region"() ({
      %run_scoped3A = tpu.sem_alloc : memref<!tpu.dma_semaphore, #tpu.memory_space<semaphore_mem>>
      %dma_start3A = arith.constant 0 : i32
      %dma_start3A_24 = tpu.memref_slice %arg13[%mul3A_0, %dma_start3A] : memref<10000x64xf32, #tpu.memory_space<vmem_shared>> -> memref<625x64xf32, #tpu.memory_space<vmem_shared>>
      %dma_start3A_25 = arith.constant 0 : i32
      %dma_start3A_26 = arith.constant 0 : i32
      %dma_start3A_27 = tpu.memref_slice %arg4[%arg0, %dma_start3A_25, %dma_start3A_26] : memref<2x10000x64xf32, #tpu.memory_space<hbm>> -> memref<1x10000x64xf32, #tpu.memory_space<hbm>>
      %dma_start3A_28 = tpu.memref_squeeze %dma_start3A_27 : memref<1x10000x64xf32, #tpu.memory_space<hbm>> -> memref<10000x64xf32, #tpu.memory_space<hbm>>
      %dma_start3A_29 = arith.constant 0 : i32
      %dma_start3A_30 = tpu.memref_slice %dma_start3A_28[%mul3A_0, %dma_start3A_29] : memref<10000x64xf32, #tpu.memory_space<hbm>> -> memref<625x64xf32, #tpu.memory_space<hbm>>
      tpu.enqueue_dma source(%dma_start3A_30 : memref<625x64xf32, #tpu.memory_space<hbm>>) target(%dma_start3A_24 : memref<625x64xf32, #tpu.memory_space<vmem_shared>>) target_semaphore(%run_scoped3A : memref<!tpu.dma_semaphore, #tpu.memory_space<semaphore_mem>>)
      %dma_wait3A = arith.constant 0 : i32
      %dma_wait3A_31 = tpu.memref_slice %arg13[%mul3A_0, %dma_wait3A] : memref<10000x64xf32, #tpu.memory_space<vmem_shared>> -> memref<625x64xf32, #tpu.memory_space<vmem_shared>>
      %dma_wait3A_32 = arith.constant 0 : i32
      %dma_wait3A_33 = arith.constant 0 : i32
      %dma_wait3A_34 = tpu.memref_slice %arg4[%arg0, %dma_wait3A_32, %dma_wait3A_33] : memref<2x10000x64xf32, #tpu.memory_space<hbm>> -> memref<1x10000x64xf32, #tpu.memory_space<hbm>>
      %dma_wait3A_35 = tpu.memref_squeeze %dma_wait3A_34 : memref<1x10000x64xf32, #tpu.memory_space<hbm>> -> memref<10000x64xf32, #tpu.memory_space<hbm>>
      %dma_wait3A_36 = arith.constant 0 : i32
      %dma_wait3A_37 = tpu.memref_slice %dma_wait3A_35[%mul3A_0, %dma_wait3A_36] : memref<10000x64xf32, #tpu.memory_space<hbm>> -> memref<625x64xf32, #tpu.memory_space<hbm>>
      tpu.wait_dma2 semaphore(%run_scoped3A : memref<!tpu.dma_semaphore, #tpu.memory_space<semaphore_mem>>) src(%dma_wait3A_37 : memref<625x64xf32, #tpu.memory_space<hbm>>) dst(%dma_wait3A_31 : memref<625x64xf32, #tpu.memory_space<vmem_shared>>)
      tpu.yield
    }) : () -> ()
    %scan3A = arith.constant 0 : i32
    %scan3A_1 = arith.constant 0 : i32
    %scan3A_2 = arith.constant 512 : i32
    %scan3A_3 = arith.addi %scan3A_1, %scan3A_2 : i32
    %scan3A_4 = arith.constant 1 : i32
    %scan3A_5 = scf.for %scan3A_24 = %scan3A_1 to %scan3A_3 step %scan3A_4 iter_args(%scan3A_25 = %scan3A) -> (i32)  : i32 {
      %broadcast_in_dim3A = arith.constant 0.000000e+00 : f32
      %broadcast_in_dim3A_26 = vector.broadcast %broadcast_in_dim3A : f32 to vector<16xf32>
      %jit3A = arith.constant 4 : i32
      %div3A = arith.divsi %scan3A_24, %jit3A : i32
      %sign3A = arith.constant 0 : i32
      %sign3A_27 = arith.cmpi sgt, %scan3A_24, %sign3A : i32
      %sign3A_28 = arith.extui %sign3A_27 : i1 to i32
      %sign3A_29 = arith.constant 0 : i32
      %sign3A_30 = arith.cmpi slt, %scan3A_24, %sign3A_29 : i32
      %sign3A_31 = arith.extui %sign3A_30 : i1 to i32
      %sign3A_32 = arith.subi %sign3A_28, %sign3A_31 : i32
      %sign3A_33 = arith.constant 0 : i32
      %sign3A_34 = arith.cmpi sgt, %jit3A, %sign3A_33 : i32
      %sign3A_35 = arith.extui %sign3A_34 : i1 to i32
      %sign3A_36 = arith.constant 0 : i32
      %sign3A_37 = arith.cmpi slt, %jit3A, %sign3A_36 : i32
      %sign3A_38 = arith.extui %sign3A_37 : i1 to i32
      %sign3A_39 = arith.subi %sign3A_35, %sign3A_38 : i32
      %ne3A = arith.cmpi ne, %sign3A_32, %sign3A_39 : i32
      %rem3A = arith.remsi %scan3A_24, %jit3A : i32
      %ne3A_40 = arith.constant 0 : i32
      %ne3A_41 = arith.cmpi ne, %rem3A, %ne3A_40 : i32
      %and3A = arith.andi %ne3A, %ne3A_41 : i1
      %sub3A = arith.constant 1 : i32
      %sub3A_42 = arith.subi %div3A, %sub3A : i32
      %select_n3A = arith.select %and3A, %sub3A_42, %div3A : i32
      %jit3A_43 = arith.constant 4 : i32
      %eq3A = arith.constant 0 : i32
      %eq3A_44 = arith.cmpi eq, %jit3A_43, %eq3A : i32
      %jit3A_45 = arith.constant 1 : i32
      %select_n3A_46 = arith.select %eq3A_44, %jit3A_45, %jit3A_43 : i32
      %rem3A_47 = arith.remsi %scan3A_24, %select_n3A_46 : i32
      %ne3A_48 = arith.constant 0 : i32
      %ne3A_49 = arith.cmpi ne, %rem3A_47, %ne3A_48 : i32
      %lt3A = arith.constant 0 : i32
      %lt3A_50 = arith.cmpi slt, %rem3A_47, %lt3A : i32
      %lt3A_51 = arith.constant 0 : i32
      %lt3A_52 = arith.cmpi slt, %select_n3A_46, %lt3A_51 : i32
      %ne3A_53 = arith.xori %lt3A_50, %lt3A_52 : i1
      %and3A_54 = arith.andi %ne3A_53, %ne3A_49 : i1
      %add3A = arith.addi %rem3A_47, %select_n3A_46 : i32
      %select_n3A_55 = arith.select %and3A_54, %add3A, %rem3A_47 : i32
      %mul3A_56 = arith.constant 16 : i32
      %mul3A_57 = arith.muli %select_n3A_55, %mul3A_56 : i32
      %swap3A = arith.index_cast %select_n3A : i32 to index
      %swap3A_58 = arith.index_cast %mul3A_57 : i32 to index
      %swap3A_59 = tpu.vector_load %arg8[%swap3A, %swap3A_58] {strides = array<i32>} : memref<128x64xf32, #tpu.memory_space<vmem>>, vector<1x16xf32>,
      %swap3A_60 = vector.shape_cast %swap3A_59 : vector<1x16xf32> to vector<16xf32>
      %swap3A_61 = vector.shape_cast %broadcast_in_dim3A_26 : vector<16xf32> to vector<1x16xf32>
      tpu.vector_store %arg8[%swap3A, %swap3A_58], %swap3A_61 {strides = array<i32>} : memref<128x64xf32, #tpu.memory_space<vmem>>, vector<1x16xf32>,
      %scan3A_62 = arith.constant 0 : i32
      scf.yield %scan3A_62 : i32
    }
    %scan3A_6 = arith.constant 512 : i32
    %scan3A_7 = arith.constant 0 : i32
    %scan3A_8 = arith.constant 0 : i32
    %scan3A_9 = arith.constant 5 : i32
    %scan3A_10 = arith.addi %scan3A_8, %scan3A_9 : i32
    %scan3A_11 = arith.constant 1 : i32
    %scan3A_12 = scf.for %scan3A_24 = %scan3A_8 to %scan3A_10 step %scan3A_11 iter_args(%scan3A_25 = %scan3A_7) -> (i32)  : i32 {
      %mul3A_26 = arith.constant 640 : i32
      %mul3A_27 = arith.muli %arg1, %mul3A_26 : i32
      %mul3A_28 = arith.constant 128 : i32
      %mul3A_29 = arith.muli %scan3A_24, %mul3A_28 : i32
      %add3A = arith.addi %mul3A_27, %mul3A_29 : i32
      "tpu.region"() ({
        %run_scoped3A = tpu.sem_alloc : memref<!tpu.dma_semaphore, #tpu.memory_space<semaphore_mem>>
        %dma_start3A = arith.constant 0 : i32
        %dma_start3A_31 = tpu.memref_slice %arg12[%add3A, %dma_start3A] : memref<10240x64xf32, #tpu.memory_space<vmem_shared>> -> memref<128x64xf32, #tpu.memory_space<vmem_shared>>
        %dma_start3A_32 = arith.constant 0 : i32
        %dma_start3A_33 = tpu.memref_slice %arg12[%add3A, %dma_start3A_32] : memref<10240x64xf32, #tpu.memory_space<vmem_shared>> -> memref<128x64xf32, #tpu.memory_space<vmem_shared>>
        tpu.enqueue_dma source(%arg8 : memref<128x64xf32, #tpu.memory_space<vmem>>) target(%dma_start3A_33 : memref<128x64xf32, #tpu.memory_space<vmem_shared>>) target_semaphore(%run_scoped3A : memref<!tpu.dma_semaphore, #tpu.memory_space<semaphore_mem>>)
        %dma_wait3A = arith.constant 0 : i32
        %dma_wait3A_34 = tpu.memref_slice %arg12[%add3A, %dma_wait3A] : memref<10240x64xf32, #tpu.memory_space<vmem_shared>> -> memref<128x64xf32, #tpu.memory_space<vmem_shared>>
        %dma_wait3A_35 = arith.constant 0 : i32
        %dma_wait3A_36 = tpu.memref_slice %arg12[%add3A, %dma_wait3A_35] : memref<10240x64xf32, #tpu.memory_space<vmem_shared>> -> memref<128x64xf32, #tpu.memory_space<vmem_shared>>
        tpu.wait_dma2 semaphore(%run_scoped3A : memref<!tpu.dma_semaphore, #tpu.memory_space<semaphore_mem>>) src(%arg8 : memref<128x64xf32, #tpu.memory_space<vmem>>) dst(%dma_wait3A_36 : memref<128x64xf32, #tpu.memory_space<vmem_shared>>)
        tpu.yield
      }) : () -> ()
      %scan3A_30 = arith.constant 0 : i32
      scf.yield %scan3A_30 : i32
    }
    %scan3A_13 = arith.constant 5 : i32
    %barrier3A = arith.constant 0 : index
    tpu.barrier barrier_id(%barrier3A)
    %scan3A_14 = arith.constant 0 : i32
    %scan3A_15 = arith.constant 0 : i32
    %scan3A_16 = arith.constant 4 : i32
    %scan3A_17 = arith.addi %scan3A_15, %scan3A_16 : i32
    %scan3A_18 = arith.constant 1 : i32
    %scan3A_19 = scf.for %scan3A_24 = %scan3A_15 to %scan3A_17 step %scan3A_18 iter_args(%scan3A_25 = %scan3A_14) -> (i32)  : i32 {
      %mul3A_26 = arith.constant 40 : i32
      %mul3A_27 = arith.muli %scan3A_24, %mul3A_26 : i32
      "tpu.region"() ({
        %run_scoped3A = tpu.sem_alloc : memref<!tpu.dma_semaphore, #tpu.memory_space<semaphore_mem>>
        %dma_start3A_64 = arith.constant 0 : i32
        %dma_start3A_65 = arith.constant 0 : i32
        %dma_start3A_66 = tpu.memref_slice %arg2[%arg1, %dma_start3A_64, %dma_start3A_65] : memref<16x160x128xi32, #tpu.memory_space<hbm>> -> memref<1x160x128xi32, #tpu.memory_space<hbm>>
        %dma_start3A_67 = tpu.memref_squeeze %dma_start3A_66 : memref<1x160x128xi32, #tpu.memory_space<hbm>> -> memref<160x128xi32, #tpu.memory_space<hbm>>
        %dma_start3A_68 = arith.constant 0 : i32
        %dma_start3A_69 = tpu.memref_slice %dma_start3A_67[%mul3A_27, %dma_start3A_68] : memref<160x128xi32, #tpu.memory_space<hbm>> -> memref<40x128xi32, #tpu.memory_space<hbm>>
        %dma_start3A_70 = arith.constant 0 : i32
        %dma_start3A_71 = arith.constant 0 : i32
        %dma_start3A_72 = tpu.memref_slice %arg2[%arg1, %dma_start3A_70, %dma_start3A_71] : memref<16x160x128xi32, #tpu.memory_space<hbm>> -> memref<1x160x128xi32, #tpu.memory_space<hbm>>
        %dma_start3A_73 = tpu.memref_squeeze %dma_start3A_72 : memref<1x160x128xi32, #tpu.memory_space<hbm>> -> memref<160x128xi32, #tpu.memory_space<hbm>>
        %dma_start3A_74 = arith.constant 0 : i32
        %dma_start3A_75 = tpu.memref_slice %dma_start3A_73[%mul3A_27, %dma_start3A_74] : memref<160x128xi32, #tpu.memory_space<hbm>> -> memref<40x128xi32, #tpu.memory_space<hbm>>
        tpu.enqueue_dma source(%dma_start3A_75 : memref<40x128xi32, #tpu.memory_space<hbm>>) target(%arg6 : memref<40x128xi32, #tpu.memory_space<vmem>>) target_semaphore(%run_scoped3A : memref<!tpu.dma_semaphore, #tpu.memory_space<semaphore_mem>>)
        %dma_wait3A_76 = arith.constant 0 : i32
        %dma_wait3A_77 = arith.constant 0 : i32
        %dma_wait3A_78 = tpu.memref_slice %arg2[%arg1, %dma_wait3A_76, %dma_wait3A_77] : memref<16x160x128xi32, #tpu.memory_space<hbm>> -> memref<1x160x128xi32, #tpu.memory_space<hbm>>
        %dma_wait3A_79 = tpu.memref_squeeze %dma_wait3A_78 : memref<1x160x128xi32, #tpu.memory_space<hbm>> -> memref<160x128xi32, #tpu.memory_space<hbm>>
        %dma_wait3A_80 = arith.constant 0 : i32
        %dma_wait3A_81 = tpu.memref_slice %dma_wait3A_79[%mul3A_27, %dma_wait3A_80] : memref<160x128xi32, #tpu.memory_space<hbm>> -> memref<40x128xi32, #tpu.memory_space<hbm>>
        %dma_wait3A_82 = arith.constant 0 : i32
        %dma_wait3A_83 = arith.constant 0 : i32
        %dma_wait3A_84 = tpu.memref_slice %arg2[%arg1, %dma_wait3A_82, %dma_wait3A_83] : memref<16x160x128xi32, #tpu.memory_space<hbm>> -> memref<1x160x128xi32, #tpu.memory_space<hbm>>
        %dma_wait3A_85 = tpu.memref_squeeze %dma_wait3A_84 : memref<1x160x128xi32, #tpu.memory_space<hbm>> -> memref<160x128xi32, #tpu.memory_space<hbm>>
        %dma_wait3A_86 = arith.constant 0 : i32
        %dma_wait3A_87 = tpu.memref_slice %dma_wait3A_85[%mul3A_27, %dma_wait3A_86] : memref<160x128xi32, #tpu.memory_space<hbm>> -> memref<40x128xi32, #tpu.memory_space<hbm>>
        tpu.wait_dma2 semaphore(%run_scoped3A : memref<!tpu.dma_semaphore, #tpu.memory_space<semaphore_mem>>) src(%dma_wait3A_87 : memref<40x128xi32, #tpu.memory_space<hbm>>) dst(%arg6 : memref<40x128xi32, #tpu.memory_space<vmem>>)
        tpu.yield
      }) : () -> ()
      %mul3A_28 = arith.constant 40 : i32
      %mul3A_29 = arith.muli %scan3A_24, %mul3A_28 : i32
      "tpu.region"() ({
        %run_scoped3A = tpu.sem_alloc : memref<!tpu.dma_semaphore, #tpu.memory_space<semaphore_mem>>
        %dma_start3A_64 = arith.constant 0 : i32
        %dma_start3A_65 = arith.constant 0 : i32
        %dma_start3A_66 = tpu.memref_slice %arg3[%arg1, %dma_start3A_64, %dma_start3A_65] : memref<16x160x128xi32, #tpu.memory_space<hbm>> -> memref<1x160x128xi32, #tpu.memory_space<hbm>>
        %dma_start3A_67 = tpu.memref_squeeze %dma_start3A_66 : memref<1x160x128xi32, #tpu.memory_space<hbm>> -> memref<160x128xi32, #tpu.memory_space<hbm>>
        %dma_start3A_68 = arith.constant 0 : i32
        %dma_start3A_69 = tpu.memref_slice %dma_start3A_67[%mul3A_29, %dma_start3A_68] : memref<160x128xi32, #tpu.memory_space<hbm>> -> memref<40x128xi32, #tpu.memory_space<hbm>>
        %dma_start3A_70 = arith.constant 0 : i32
        %dma_start3A_71 = arith.constant 0 : i32
        %dma_start3A_72 = tpu.memref_slice %arg3[%arg1, %dma_start3A_70, %dma_start3A_71] : memref<16x160x128xi32, #tpu.memory_space<hbm>> -> memref<1x160x128xi32, #tpu.memory_space<hbm>>
        %dma_start3A_73 = tpu.memref_squeeze %dma_start3A_72 : memref<1x160x128xi32, #tpu.memory_space<hbm>> -> memref<160x128xi32, #tpu.memory_space<hbm>>
        %dma_start3A_74 = arith.constant 0 : i32
        %dma_start3A_75 = tpu.memref_slice %dma_start3A_73[%mul3A_29, %dma_start3A_74] : memref<160x128xi32, #tpu.memory_space<hbm>> -> memref<40x128xi32, #tpu.memory_space<hbm>>
        tpu.enqueue_dma source(%dma_start3A_75 : memref<40x128xi32, #tpu.memory_space<hbm>>) target(%arg7 : memref<40x128xi32, #tpu.memory_space<vmem>>) target_semaphore(%run_scoped3A : memref<!tpu.dma_semaphore, #tpu.memory_space<semaphore_mem>>)
        %dma_wait3A_76 = arith.constant 0 : i32
        %dma_wait3A_77 = arith.constant 0 : i32
        %dma_wait3A_78 = tpu.memref_slice %arg3[%arg1, %dma_wait3A_76, %dma_wait3A_77] : memref<16x160x128xi32, #tpu.memory_space<hbm>> -> memref<1x160x128xi32, #tpu.memory_space<hbm>>
        %dma_wait3A_79 = tpu.memref_squeeze %dma_wait3A_78 : memref<1x160x128xi32, #tpu.memory_space<hbm>> -> memref<160x128xi32, #tpu.memory_space<hbm>>
        %dma_wait3A_80 = arith.constant 0 : i32
        %dma_wait3A_81 = tpu.memref_slice %dma_wait3A_79[%mul3A_29, %dma_wait3A_80] : memref<160x128xi32, #tpu.memory_space<hbm>> -> memref<40x128xi32, #tpu.memory_space<hbm>>
        %dma_wait3A_82 = arith.constant 0 : i32
        %dma_wait3A_83 = arith.constant 0 : i32
        %dma_wait3A_84 = tpu.memref_slice %arg3[%arg1, %dma_wait3A_82, %dma_wait3A_83] : memref<16x160x128xi32, #tpu.memory_space<hbm>> -> memref<1x160x128xi32, #tpu.memory_space<hbm>>
        %dma_wait3A_85 = tpu.memref_squeeze %dma_wait3A_84 : memref<1x160x128xi32, #tpu.memory_space<hbm>> -> memref<160x128xi32, #tpu.memory_space<hbm>>
        %dma_wait3A_86 = arith.constant 0 : i32
        %dma_wait3A_87 = tpu.memref_slice %dma_wait3A_85[%mul3A_29, %dma_wait3A_86] : memref<160x128xi32, #tpu.memory_space<hbm>> -> memref<40x128xi32, #tpu.memory_space<hbm>>
        tpu.wait_dma2 semaphore(%run_scoped3A : memref<!tpu.dma_semaphore, #tpu.memory_space<semaphore_mem>>) src(%dma_wait3A_87 : memref<40x128xi32, #tpu.memory_space<hbm>>) dst(%arg7 : memref<40x128xi32, #tpu.memory_space<vmem>>)
        tpu.yield
      }) : () -> ()
      %dma_start3A = arith.constant 0 : i32
      %dma_start3A_30 = arith.constant 0 : i32
      %dma_start3A_31 = tpu.memref_slice %arg6[%dma_start3A, %dma_start3A_30] : memref<40x128xi32, #tpu.memory_space<vmem>> -> memref<1x128xi32, #tpu.memory_space<vmem>>
      %dma_start3A_32 = tpu.memref_squeeze %dma_start3A_31 : memref<1x128xi32, #tpu.memory_space<vmem>> -> memref<128xi32, #tpu.memory_space<vmem>>
      %dma_start3A_33 = arith.constant 0 : i32
      %dma_start3A_34 = arith.constant 0 : i32
      %dma_start3A_35 = tpu.memref_slice %arg13[%dma_start3A_33, %dma_start3A_34] : memref<10000x64xf32, #tpu.memory_space<vmem_shared>> -> memref<10000x64xf32, #tpu.memory_space<vmem_shared>>
      tpu.enqueue_indirect_dma source(%dma_start3A_35 : memref<10000x64xf32, #tpu.memory_space<vmem_shared>>) target(%arg8 : memref<128x64xf32, #tpu.memory_space<vmem>>) offsets(%dma_start3A_32 : memref<128xi32, #tpu.memory_space<vmem>>) semaphore(%arg14 : memref<!tpu.dma_semaphore, #tpu.memory_space<semaphore_mem>>)
      %dma_start3A_36 = arith.constant 1 : i32
      %dma_start3A_37 = arith.constant 0 : i32
      %dma_start3A_38 = tpu.memref_slice %arg6[%dma_start3A_36, %dma_start3A_37] : memref<40x128xi32, #tpu.memory_space<vmem>> -> memref<1x128xi32, #tpu.memory_space<vmem>>
      %dma_start3A_39 = tpu.memref_squeeze %dma_start3A_38 : memref<1x128xi32, #tpu.memory_space<vmem>> -> memref<128xi32, #tpu.memory_space<vmem>>
      %dma_start3A_40 = arith.constant 0 : i32
      %dma_start3A_41 = arith.constant 0 : i32
      %dma_start3A_42 = tpu.memref_slice %arg13[%dma_start3A_40, %dma_start3A_41] : memref<10000x64xf32, #tpu.memory_space<vmem_shared>> -> memref<10000x64xf32, #tpu.memory_space<vmem_shared>>
      tpu.enqueue_indirect_dma source(%dma_start3A_42 : memref<10000x64xf32, #tpu.memory_space<vmem_shared>>) target(%arg9 : memref<128x64xf32, #tpu.memory_space<vmem>>) offsets(%dma_start3A_39 : memref<128xi32, #tpu.memory_space<vmem>>) semaphore(%arg15 : memref<!tpu.dma_semaphore, #tpu.memory_space<semaphore_mem>>)
      %scan3A_43 = arith.constant 0 : i32
      %scan3A_44 = arith.constant 0 : i32
      %scan3A_45 = arith.constant 10 : i32
      %scan3A_46 = arith.addi %scan3A_44, %scan3A_45 : i32
      %scan3A_47 = arith.constant 1 : i32
      %scan3A_48 = scf.for %scan3A_64 = %scan3A_44 to %scan3A_46 step %scan3A_47 iter_args(%scan3A_65 = %scan3A_43) -> (i32)  : i32 {
        %mul3A_66 = arith.constant 4 : i32
        %mul3A_67 = arith.muli %scan3A_64, %mul3A_66 : i32
        %add3A = arith.constant 0 : i32
        %add3A_68 = arith.addi %mul3A_67, %add3A : i32
        %dma_wait3A_69 = arith.constant 0 : i32
        %dma_wait3A_70 = tpu.memref_slice %arg6[%add3A_68, %dma_wait3A_69] : memref<40x128xi32, #tpu.memory_space<vmem>> -> memref<1x128xi32, #tpu.memory_space<vmem>>
        %dma_wait3A_71 = tpu.memref_squeeze %dma_wait3A_70 : memref<1x128xi32, #tpu.memory_space<vmem>> -> memref<128xi32, #tpu.memory_space<vmem>>
        %dma_wait3A_72 = arith.constant 0 : i32
        %dma_wait3A_73 = arith.constant 0 : i32
        %dma_wait3A_74 = tpu.memref_slice %arg13[%dma_wait3A_72, %dma_wait3A_73] : memref<10000x64xf32, #tpu.memory_space<vmem_shared>> -> memref<10000x64xf32, #tpu.memory_space<vmem_shared>>
        tpu.wait_indirect_dma semaphore(%arg14 : memref<!tpu.dma_semaphore, #tpu.memory_space<semaphore_mem>>) src(%dma_wait3A_74 : memref<10000x64xf32, #tpu.memory_space<vmem_shared>>) dst(%arg8 : memref<128x64xf32, #tpu.memory_space<vmem>>)
        %dma_start3A_75 = arith.constant 0 : i32
        %dma_start3A_76 = tpu.memref_slice %arg7[%add3A_68, %dma_start3A_75] : memref<40x128xi32, #tpu.memory_space<vmem>> -> memref<1x128xi32, #tpu.memory_space<vmem>>
        %dma_start3A_77 = tpu.memref_squeeze %dma_start3A_76 : memref<1x128xi32, #tpu.memory_space<vmem>> -> memref<128xi32, #tpu.memory_space<vmem>>
        %dma_start3A_78 = arith.constant 0 : i32
        %dma_start3A_79 = arith.constant 0 : i32
        %dma_start3A_80 = tpu.memref_slice %arg12[%dma_start3A_78, %dma_start3A_79] : memref<10240x64xf32, #tpu.memory_space<vmem_shared>> -> memref<10240x64xf32, #tpu.memory_space<vmem_shared>>
        tpu.enqueue_indirect_dma source(%arg8 : memref<128x64xf32, #tpu.memory_space<vmem>>) target(%dma_start3A_80 : memref<10240x64xf32, #tpu.memory_space<vmem_shared>>) offsets(%dma_start3A_77 : memref<128xi32, #tpu.memory_space<vmem>>) semaphore(%arg18 : memref<!tpu.dma_semaphore, #tpu.memory_space<semaphore_mem>>) {add = true}
        %ge3A = arith.constant 2 : i32
        %ge3A_81 = arith.cmpi sge, %add3A_68, %ge3A : i32
        %convert_element_type3A = arith.extui %ge3A_81 : i1 to i32
        %cond3A = arith.constant 0 : i32
        %cond3A_82 = arith.cmpi ne, %convert_element_type3A, %cond3A : i32
        scf.if %cond3A_82 {
          %sub3A = arith.constant 2 : i32
          %sub3A_168 = arith.subi %add3A_68, %sub3A : i32
          %dma_wait3A_169 = arith.constant 0 : i32
          %dma_wait3A_170 = tpu.memref_slice %arg7[%sub3A_168, %dma_wait3A_169] : memref<40x128xi32, #tpu.memory_space<vmem>> -> memref<1x128xi32, #tpu.memory_space<vmem>>
          %dma_wait3A_171 = tpu.memref_squeeze %dma_wait3A_170 : memref<1x128xi32, #tpu.memory_space<vmem>> -> memref<128xi32, #tpu.memory_space<vmem>>
          %dma_wait3A_172 = arith.constant 0 : i32
          %dma_wait3A_173 = arith.constant 0 : i32
          %dma_wait3A_174 = tpu.memref_slice %arg12[%dma_wait3A_172, %dma_wait3A_173] : memref<10240x64xf32, #tpu.memory_space<vmem_shared>> -> memref<10240x64xf32, #tpu.memory_space<vmem_shared>>
          tpu.wait_indirect_dma semaphore(%arg20 : memref<!tpu.dma_semaphore, #tpu.memory_space<semaphore_mem>>) src(%arg10 : memref<128x64xf32, #tpu.memory_space<vmem>>) dst(%dma_wait3A_174 : memref<10240x64xf32, #tpu.memory_space<vmem_shared>>)
        } else {
        }
        %add3A_83 = arith.constant 2 : i32
        %add3A_84 = arith.addi %add3A_68, %add3A_83 : i32
        %lt3A = arith.constant 40 : i32
        %lt3A_85 = arith.cmpi slt, %add3A_84, %lt3A : i32
        %convert_element_type3A_86 = arith.extui %lt3A_85 : i1 to i32
        %cond3A_87 = arith.constant 0 : i32
        %cond3A_88 = arith.cmpi ne, %convert_element_type3A_86, %cond3A_87 : i32
        scf.if %cond3A_88 {
          %add3A_168 = arith.constant 2 : i32
          %add3A_169 = arith.addi %add3A_68, %add3A_168 : i32
          %dma_start3A_170 = arith.constant 0 : i32
          %dma_start3A_171 = tpu.memref_slice %arg6[%add3A_169, %dma_start3A_170] : memref<40x128xi32, #tpu.memory_space<vmem>> -> memref<1x128xi32, #tpu.memory_space<vmem>>
          %dma_start3A_172 = tpu.memref_squeeze %dma_start3A_171 : memref<1x128xi32, #tpu.memory_space<vmem>> -> memref<128xi32, #tpu.memory_space<vmem>>
          %dma_start3A_173 = arith.constant 0 : i32
          %dma_start3A_174 = arith.constant 0 : i32
          %dma_start3A_175 = tpu.memref_slice %arg13[%dma_start3A_173, %dma_start3A_174] : memref<10000x64xf32, #tpu.memory_space<vmem_shared>> -> memref<10000x64xf32, #tpu.memory_space<vmem_shared>>
          tpu.enqueue_indirect_dma source(%dma_start3A_175 : memref<10000x64xf32, #tpu.memory_space<vmem_shared>>) target(%arg10 : memref<128x64xf32, #tpu.memory_space<vmem>>) offsets(%dma_start3A_172 : memref<128xi32, #tpu.memory_space<vmem>>) semaphore(%arg16 : memref<!tpu.dma_semaphore, #tpu.memory_space<semaphore_mem>>)
        } else {
        }
        %add3A_89 = arith.constant 1 : i32
        %add3A_90 = arith.addi %mul3A_67, %add3A_89 : i32
        %dma_wait3A_91 = arith.constant 0 : i32
        %dma_wait3A_92 = tpu.memref_slice %arg6[%add3A_90, %dma_wait3A_91] : memref<40x128xi32, #tpu.memory_space<vmem>> -> memref<1x128xi32, #tpu.memory_space<vmem>>
        %dma_wait3A_93 = tpu.memref_squeeze %dma_wait3A_92 : memref<1x128xi32, #tpu.memory_space<vmem>> -> memref<128xi32, #tpu.memory_space<vmem>>
        %dma_wait3A_94 = arith.constant 0 : i32
        %dma_wait3A_95 = arith.constant 0 : i32
        %dma_wait3A_96 = tpu.memref_slice %arg13[%dma_wait3A_94, %dma_wait3A_95] : memref<10000x64xf32, #tpu.memory_space<vmem_shared>> -> memref<10000x64xf32, #tpu.memory_space<vmem_shared>>
        tpu.wait_indirect_dma semaphore(%arg15 : memref<!tpu.dma_semaphore, #tpu.memory_space<semaphore_mem>>) src(%dma_wait3A_96 : memref<10000x64xf32, #tpu.memory_space<vmem_shared>>) dst(%arg9 : memref<128x64xf32, #tpu.memory_space<vmem>>)
        %dma_start3A_97 = arith.constant 0 : i32
        %dma_start3A_98 = tpu.memref_slice %arg7[%add3A_90, %dma_start3A_97] : memref<40x128xi32, #tpu.memory_space<vmem>> -> memref<1x128xi32, #tpu.memory_space<vmem>>
        %dma_start3A_99 = tpu.memref_squeeze %dma_start3A_98 : memref<1x128xi32, #tpu.memory_space<vmem>> -> memref<128xi32, #tpu.memory_space<vmem>>
        %dma_start3A_100 = arith.constant 0 : i32
        %dma_start3A_101 = arith.constant 0 : i32
        %dma_start3A_102 = tpu.memref_slice %arg12[%dma_start3A_100, %dma_start3A_101] : memref<10240x64xf32, #tpu.memory_space<vmem_shared>> -> memref<10240x64xf32, #tpu.memory_space<vmem_shared>>
        tpu.enqueue_indirect_dma source(%arg9 : memref<128x64xf32, #tpu.memory_space<vmem>>) target(%dma_start3A_102 : memref<10240x64xf32, #tpu.memory_space<vmem_shared>>) offsets(%dma_start3A_99 : memref<128xi32, #tpu.memory_space<vmem>>) semaphore(%arg19 : memref<!tpu.dma_semaphore, #tpu.memory_space<semaphore_mem>>) {add = true}
        %ge3A_103 = arith.constant 2 : i32
        %ge3A_104 = arith.cmpi sge, %add3A_90, %ge3A_103 : i32
        %convert_element_type3A_105 = arith.extui %ge3A_104 : i1 to i32
        %cond3A_106 = arith.constant 0 : i32
        %cond3A_107 = arith.cmpi ne, %convert_element_type3A_105, %cond3A_106 : i32
        scf.if %cond3A_107 {
          %sub3A = arith.constant 2 : i32
          %sub3A_168 = arith.subi %add3A_90, %sub3A : i32
          %dma_wait3A_169 = arith.constant 0 : i32
          %dma_wait3A_170 = tpu.memref_slice %arg7[%sub3A_168, %dma_wait3A_169] : memref<40x128xi32, #tpu.memory_space<vmem>> -> memref<1x128xi32, #tpu.memory_space<vmem>>
          %dma_wait3A_171 = tpu.memref_squeeze %dma_wait3A_170 : memref<1x128xi32, #tpu.memory_space<vmem>> -> memref<128xi32, #tpu.memory_space<vmem>>
          %dma_wait3A_172 = arith.constant 0 : i32
          %dma_wait3A_173 = arith.constant 0 : i32
          %dma_wait3A_174 = tpu.memref_slice %arg12[%dma_wait3A_172, %dma_wait3A_173] : memref<10240x64xf32, #tpu.memory_space<vmem_shared>> -> memref<10240x64xf32, #tpu.memory_space<vmem_shared>>
          tpu.wait_indirect_dma semaphore(%arg21 : memref<!tpu.dma_semaphore, #tpu.memory_space<semaphore_mem>>) src(%arg11 : memref<128x64xf32, #tpu.memory_space<vmem>>) dst(%dma_wait3A_174 : memref<10240x64xf32, #tpu.memory_space<vmem_shared>>)
        } else {
        }
        %add3A_108 = arith.constant 2 : i32
        %add3A_109 = arith.addi %add3A_90, %add3A_108 : i32
        %lt3A_110 = arith.constant 40 : i32
        %lt3A_111 = arith.cmpi slt, %add3A_109, %lt3A_110 : i32
        %convert_element_type3A_112 = arith.extui %lt3A_111 : i1 to i32
        %cond3A_113 = arith.constant 0 : i32
        %cond3A_114 = arith.cmpi ne, %convert_element_type3A_112, %cond3A_113 : i32
        scf.if %cond3A_114 {
          %add3A_168 = arith.constant 2 : i32
          %add3A_169 = arith.addi %add3A_90, %add3A_168 : i32
          %dma_start3A_170 = arith.constant 0 : i32
          %dma_start3A_171 = tpu.memref_slice %arg6[%add3A_169, %dma_start3A_170] : memref<40x128xi32, #tpu.memory_space<vmem>> -> memref<1x128xi32, #tpu.memory_space<vmem>>
          %dma_start3A_172 = tpu.memref_squeeze %dma_start3A_171 : memref<1x128xi32, #tpu.memory_space<vmem>> -> memref<128xi32, #tpu.memory_space<vmem>>
          %dma_start3A_173 = arith.constant 0 : i32
          %dma_start3A_174 = arith.constant 0 : i32
          %dma_start3A_175 = tpu.memref_slice %arg13[%dma_start3A_173, %dma_start3A_174] : memref<10000x64xf32, #tpu.memory_space<vmem_shared>> -> memref<10000x64xf32, #tpu.memory_space<vmem_shared>>
          tpu.enqueue_indirect_dma source(%dma_start3A_175 : memref<10000x64xf32, #tpu.memory_space<vmem_shared>>) target(%arg11 : memref<128x64xf32, #tpu.memory_space<vmem>>) offsets(%dma_start3A_172 : memref<128xi32, #tpu.memory_space<vmem>>) semaphore(%arg17 : memref<!tpu.dma_semaphore, #tpu.memory_space<semaphore_mem>>)
        } else {
        }
        %add3A_115 = arith.constant 2 : i32
        %add3A_116 = arith.addi %mul3A_67, %add3A_115 : i32
        %dma_wait3A_117 = arith.constant 0 : i32
        %dma_wait3A_118 = tpu.memref_slice %arg6[%add3A_116, %dma_wait3A_117] : memref<40x128xi32, #tpu.memory_space<vmem>> -> memref<1x128xi32, #tpu.memory_space<vmem>>
        %dma_wait3A_119 = tpu.memref_squeeze %dma_wait3A_118 : memref<1x128xi32, #tpu.memory_space<vmem>> -> memref<128xi32, #tpu.memory_space<vmem>>
        %dma_wait3A_120 = arith.constant 0 : i32
        %dma_wait3A_121 = arith.constant 0 : i32
        %dma_wait3A_122 = tpu.memref_slice %arg13[%dma_wait3A_120, %dma_wait3A_121] : memref<10000x64xf32, #tpu.memory_space<vmem_shared>> -> memref<10000x64xf32, #tpu.memory_space<vmem_shared>>
        tpu.wait_indirect_dma semaphore(%arg16 : memref<!tpu.dma_semaphore, #tpu.memory_space<semaphore_mem>>) src(%dma_wait3A_122 : memref<10000x64xf32, #tpu.memory_space<vmem_shared>>) dst(%arg10 : memref<128x64xf32, #tpu.memory_space<vmem>>)
        %dma_start3A_123 = arith.constant 0 : i32
        %dma_start3A_124 = tpu.memref_slice %arg7[%add3A_116, %dma_start3A_123] : memref<40x128xi32, #tpu.memory_space<vmem>> -> memref<1x128xi32, #tpu.memory_space<vmem>>
        %dma_start3A_125 = tpu.memref_squeeze %dma_start3A_124 : memref<1x128xi32, #tpu.memory_space<vmem>> -> memref<128xi32, #tpu.memory_space<vmem>>
        %dma_start3A_126 = arith.constant 0 : i32
        %dma_start3A_127 = arith.constant 0 : i32
        %dma_start3A_128 = tpu.memref_slice %arg12[%dma_start3A_126, %dma_start3A_127] : memref<10240x64xf32, #tpu.memory_space<vmem_shared>> -> memref<10240x64xf32, #tpu.memory_space<vmem_shared>>
        tpu.enqueue_indirect_dma source(%arg10 : memref<128x64xf32, #tpu.memory_space<vmem>>) target(%dma_start3A_128 : memref<10240x64xf32, #tpu.memory_space<vmem_shared>>) offsets(%dma_start3A_125 : memref<128xi32, #tpu.memory_space<vmem>>) semaphore(%arg20 : memref<!tpu.dma_semaphore, #tpu.memory_space<semaphore_mem>>) {add = true}
        %ge3A_129 = arith.constant 2 : i32
        %ge3A_130 = arith.cmpi sge, %add3A_116, %ge3A_129 : i32
        %convert_element_type3A_131 = arith.extui %ge3A_130 : i1 to i32
        %cond3A_132 = arith.constant 0 : i32
        %cond3A_133 = arith.cmpi ne, %convert_element_type3A_131, %cond3A_132 : i32
        scf.if %cond3A_133 {
          %sub3A = arith.constant 2 : i32
          %sub3A_168 = arith.subi %add3A_116, %sub3A : i32
          %dma_wait3A_169 = arith.constant 0 : i32
          %dma_wait3A_170 = tpu.memref_slice %arg7[%sub3A_168, %dma_wait3A_169] : memref<40x128xi32, #tpu.memory_space<vmem>> -> memref<1x128xi32, #tpu.memory_space<vmem>>
          %dma_wait3A_171 = tpu.memref_squeeze %dma_wait3A_170 : memref<1x128xi32, #tpu.memory_space<vmem>> -> memref<128xi32, #tpu.memory_space<vmem>>
          %dma_wait3A_172 = arith.constant 0 : i32
          %dma_wait3A_173 = arith.constant 0 : i32
          %dma_wait3A_174 = tpu.memref_slice %arg12[%dma_wait3A_172, %dma_wait3A_173] : memref<10240x64xf32, #tpu.memory_space<vmem_shared>> -> memref<10240x64xf32, #tpu.memory_space<vmem_shared>>
          tpu.wait_indirect_dma semaphore(%arg18 : memref<!tpu.dma_semaphore, #tpu.memory_space<semaphore_mem>>) src(%arg8 : memref<128x64xf32, #tpu.memory_space<vmem>>) dst(%dma_wait3A_174 : memref<10240x64xf32, #tpu.memory_space<vmem_shared>>)
        } else {
        }
        %add3A_134 = arith.constant 2 : i32
        %add3A_135 = arith.addi %add3A_116, %add3A_134 : i32
        %lt3A_136 = arith.constant 40 : i32
        %lt3A_137 = arith.cmpi slt, %add3A_135, %lt3A_136 : i32
        %convert_element_type3A_138 = arith.extui %lt3A_137 : i1 to i32
        %cond3A_139 = arith.constant 0 : i32
        %cond3A_140 = arith.cmpi ne, %convert_element_type3A_138, %cond3A_139 : i32
        scf.if %cond3A_140 {
          %add3A_168 = arith.constant 2 : i32
          %add3A_169 = arith.addi %add3A_116, %add3A_168 : i32
          %dma_start3A_170 = arith.constant 0 : i32
          %dma_start3A_171 = tpu.memref_slice %arg6[%add3A_169, %dma_start3A_170] : memref<40x128xi32, #tpu.memory_space<vmem>> -> memref<1x128xi32, #tpu.memory_space<vmem>>
          %dma_start3A_172 = tpu.memref_squeeze %dma_start3A_171 : memref<1x128xi32, #tpu.memory_space<vmem>> -> memref<128xi32, #tpu.memory_space<vmem>>
          %dma_start3A_173 = arith.constant 0 : i32
          %dma_start3A_174 = arith.constant 0 : i32
          %dma_start3A_175 = tpu.memref_slice %arg13[%dma_start3A_173, %dma_start3A_174] : memref<10000x64xf32, #tpu.memory_space<vmem_shared>> -> memref<10000x64xf32, #tpu.memory_space<vmem_shared>>
          tpu.enqueue_indirect_dma source(%dma_start3A_175 : memref<10000x64xf32, #tpu.memory_space<vmem_shared>>) target(%arg8 : memref<128x64xf32, #tpu.memory_space<vmem>>) offsets(%dma_start3A_172 : memref<128xi32, #tpu.memory_space<vmem>>) semaphore(%arg14 : memref<!tpu.dma_semaphore, #tpu.memory_space<semaphore_mem>>)
        } else {
        }
        %add3A_141 = arith.constant 3 : i32
        %add3A_142 = arith.addi %mul3A_67, %add3A_141 : i32
        %dma_wait3A_143 = arith.constant 0 : i32
        %dma_wait3A_144 = tpu.memref_slice %arg6[%add3A_142, %dma_wait3A_143] : memref<40x128xi32, #tpu.memory_space<vmem>> -> memref<1x128xi32, #tpu.memory_space<vmem>>
        %dma_wait3A_145 = tpu.memref_squeeze %dma_wait3A_144 : memref<1x128xi32, #tpu.memory_space<vmem>> -> memref<128xi32, #tpu.memory_space<vmem>>
        %dma_wait3A_146 = arith.constant 0 : i32
        %dma_wait3A_147 = arith.constant 0 : i32
        %dma_wait3A_148 = tpu.memref_slice %arg13[%dma_wait3A_146, %dma_wait3A_147] : memref<10000x64xf32, #tpu.memory_space<vmem_shared>> -> memref<10000x64xf32, #tpu.memory_space<vmem_shared>>
        tpu.wait_indirect_dma semaphore(%arg17 : memref<!tpu.dma_semaphore, #tpu.memory_space<semaphore_mem>>) src(%dma_wait3A_148 : memref<10000x64xf32, #tpu.memory_space<vmem_shared>>) dst(%arg11 : memref<128x64xf32, #tpu.memory_space<vmem>>)
        %dma_start3A_149 = arith.constant 0 : i32
        %dma_start3A_150 = tpu.memref_slice %arg7[%add3A_142, %dma_start3A_149] : memref<40x128xi32, #tpu.memory_space<vmem>> -> memref<1x128xi32, #tpu.memory_space<vmem>>
        %dma_start3A_151 = tpu.memref_squeeze %dma_start3A_150 : memref<1x128xi32, #tpu.memory_space<vmem>> -> memref<128xi32, #tpu.memory_space<vmem>>
        %dma_start3A_152 = arith.constant 0 : i32
        %dma_start3A_153 = arith.constant 0 : i32
        %dma_start3A_154 = tpu.memref_slice %arg12[%dma_start3A_152, %dma_start3A_153] : memref<10240x64xf32, #tpu.memory_space<vmem_shared>> -> memref<10240x64xf32, #tpu.memory_space<vmem_shared>>
        tpu.enqueue_indirect_dma source(%arg11 : memref<128x64xf32, #tpu.memory_space<vmem>>) target(%dma_start3A_154 : memref<10240x64xf32, #tpu.memory_space<vmem_shared>>) offsets(%dma_start3A_151 : memref<128xi32, #tpu.memory_space<vmem>>) semaphore(%arg21 : memref<!tpu.dma_semaphore, #tpu.memory_space<semaphore_mem>>) {add = true}
        %ge3A_155 = arith.constant 2 : i32
        %ge3A_156 = arith.cmpi sge, %add3A_142, %ge3A_155 : i32
        %convert_element_type3A_157 = arith.extui %ge3A_156 : i1 to i32
        %cond3A_158 = arith.constant 0 : i32
        %cond3A_159 = arith.cmpi ne, %convert_element_type3A_157, %cond3A_158 : i32
        scf.if %cond3A_159 {
          %sub3A = arith.constant 2 : i32
          %sub3A_168 = arith.subi %add3A_142, %sub3A : i32
          %dma_wait3A_169 = arith.constant 0 : i32
          %dma_wait3A_170 = tpu.memref_slice %arg7[%sub3A_168, %dma_wait3A_169] : memref<40x128xi32, #tpu.memory_space<vmem>> -> memref<1x128xi32, #tpu.memory_space<vmem>>
          %dma_wait3A_171 = tpu.memref_squeeze %dma_wait3A_170 : memref<1x128xi32, #tpu.memory_space<vmem>> -> memref<128xi32, #tpu.memory_space<vmem>>
          %dma_wait3A_172 = arith.constant 0 : i32
          %dma_wait3A_173 = arith.constant 0 : i32
          %dma_wait3A_174 = tpu.memref_slice %arg12[%dma_wait3A_172, %dma_wait3A_173] : memref<10240x64xf32, #tpu.memory_space<vmem_shared>> -> memref<10240x64xf32, #tpu.memory_space<vmem_shared>>
          tpu.wait_indirect_dma semaphore(%arg19 : memref<!tpu.dma_semaphore, #tpu.memory_space<semaphore_mem>>) src(%arg9 : memref<128x64xf32, #tpu.memory_space<vmem>>) dst(%dma_wait3A_174 : memref<10240x64xf32, #tpu.memory_space<vmem_shared>>)
        } else {
        }
        %add3A_160 = arith.constant 2 : i32
        %add3A_161 = arith.addi %add3A_142, %add3A_160 : i32
        %lt3A_162 = arith.constant 40 : i32
        %lt3A_163 = arith.cmpi slt, %add3A_161, %lt3A_162 : i32
        %convert_element_type3A_164 = arith.extui %lt3A_163 : i1 to i32
        %cond3A_165 = arith.constant 0 : i32
        %cond3A_166 = arith.cmpi ne, %convert_element_type3A_164, %cond3A_165 : i32
        scf.if %cond3A_166 {
          %add3A_168 = arith.constant 2 : i32
          %add3A_169 = arith.addi %add3A_142, %add3A_168 : i32
          %dma_start3A_170 = arith.constant 0 : i32
          %dma_start3A_171 = tpu.memref_slice %arg6[%add3A_169, %dma_start3A_170] : memref<40x128xi32, #tpu.memory_space<vmem>> -> memref<1x128xi32, #tpu.memory_space<vmem>>
          %dma_start3A_172 = tpu.memref_squeeze %dma_start3A_171 : memref<1x128xi32, #tpu.memory_space<vmem>> -> memref<128xi32, #tpu.memory_space<vmem>>
          %dma_start3A_173 = arith.constant 0 : i32
          %dma_start3A_174 = arith.constant 0 : i32
          %dma_start3A_175 = tpu.memref_slice %arg13[%dma_start3A_173, %dma_start3A_174] : memref<10000x64xf32, #tpu.memory_space<vmem_shared>> -> memref<10000x64xf32, #tpu.memory_space<vmem_shared>>
          tpu.enqueue_indirect_dma source(%dma_start3A_175 : memref<10000x64xf32, #tpu.memory_space<vmem_shared>>) target(%arg9 : memref<128x64xf32, #tpu.memory_space<vmem>>) offsets(%dma_start3A_172 : memref<128xi32, #tpu.memory_space<vmem>>) semaphore(%arg15 : memref<!tpu.dma_semaphore, #tpu.memory_space<semaphore_mem>>)
        } else {
        }
        %scan3A_167 = arith.constant 0 : i32
        scf.yield %scan3A_167 : i32
      }
      %scan3A_49 = arith.constant 10 : i32
      %dma_wait3A = arith.constant 38 : i32
      %dma_wait3A_50 = arith.constant 0 : i32
      %dma_wait3A_51 = tpu.memref_slice %arg7[%dma_wait3A, %dma_wait3A_50] : memref<40x128xi32, #tpu.memory_space<vmem>> -> memref<1x128xi32, #tpu.memory_space<vmem>>
      %dma_wait3A_52 = tpu.memref_squeeze %dma_wait3A_51 : memref<1x128xi32, #tpu.memory_space<vmem>> -> memref<128xi32, #tpu.memory_space<vmem>>
      %dma_wait3A_53 = arith.constant 0 : i32
      %dma_wait3A_54 = arith.constant 0 : i32
      %dma_wait3A_55 = tpu.memref_slice %arg12[%dma_wait3A_53, %dma_wait3A_54] : memref<10240x64xf32, #tpu.memory_space<vmem_shared>> -> memref<10240x64xf32, #tpu.memory_space<vmem_shared>>
      tpu.wait_indirect_dma semaphore(%arg20 : memref<!tpu.dma_semaphore, #tpu.memory_space<semaphore_mem>>) src(%arg10 : memref<128x64xf32, #tpu.memory_space<vmem>>) dst(%dma_wait3A_55 : memref<10240x64xf32, #tpu.memory_space<vmem_shared>>)
      %dma_wait3A_56 = arith.constant 39 : i32
      %dma_wait3A_57 = arith.constant 0 : i32
      %dma_wait3A_58 = tpu.memref_slice %arg7[%dma_wait3A_56, %dma_wait3A_57] : memref<40x128xi32, #tpu.memory_space<vmem>> -> memref<1x128xi32, #tpu.memory_space<vmem>>
      %dma_wait3A_59 = tpu.memref_squeeze %dma_wait3A_58 : memref<1x128xi32, #tpu.memory_space<vmem>> -> memref<128xi32, #tpu.memory_space<vmem>>
      %dma_wait3A_60 = arith.constant 0 : i32
      %dma_wait3A_61 = arith.constant 0 : i32
      %dma_wait3A_62 = tpu.memref_slice %arg12[%dma_wait3A_60, %dma_wait3A_61] : memref<10240x64xf32, #tpu.memory_space<vmem_shared>> -> memref<10240x64xf32, #tpu.memory_space<vmem_shared>>
      tpu.wait_indirect_dma semaphore(%arg21 : memref<!tpu.dma_semaphore, #tpu.memory_space<semaphore_mem>>) src(%arg11 : memref<128x64xf32, #tpu.memory_space<vmem>>) dst(%dma_wait3A_62 : memref<10240x64xf32, #tpu.memory_space<vmem_shared>>)
      %scan3A_63 = arith.constant 0 : i32
      scf.yield %scan3A_63 : i32
    }
    %scan3A_20 = arith.constant 4 : i32
    %barrier3A_21 = arith.constant 0 : index
    tpu.barrier barrier_id(%barrier3A_21)
    %mul3A_22 = arith.constant 640 : i32
    %mul3A_23 = arith.muli %arg1, %mul3A_22 : i32
    "tpu.region"() ({
      %run_scoped3A = tpu.sem_alloc : memref<!tpu.dma_semaphore, #tpu.memory_space<semaphore_mem>>
      %dma_start3A = arith.constant 0 : i32
      %dma_start3A_24 = arith.constant 0 : i32
      %dma_start3A_25 = tpu.memref_slice %arg5[%arg0, %dma_start3A, %dma_start3A_24] : memref<2x10240x64xf32, #tpu.memory_space<hbm>> -> memref<1x10240x64xf32, #tpu.memory_space<hbm>>
      %dma_start3A_26 = tpu.memref_squeeze %dma_start3A_25 : memref<1x10240x64xf32, #tpu.memory_space<hbm>> -> memref<10240x64xf32, #tpu.memory_space<hbm>>
      %dma_start3A_27 = arith.constant 0 : i32
      %dma_start3A_28 = tpu.memref_slice %dma_start3A_26[%mul3A_23, %dma_start3A_27] : memref<10240x64xf32, #tpu.memory_space<hbm>> -> memref<640x64xf32, #tpu.memory_space<hbm>>
      %dma_start3A_29 = arith.constant 0 : i32
      %dma_start3A_30 = tpu.memref_slice %arg12[%mul3A_23, %dma_start3A_29] : memref<10240x64xf32, #tpu.memory_space<vmem_shared>> -> memref<640x64xf32, #tpu.memory_space<vmem_shared>>
      tpu.enqueue_dma source(%dma_start3A_30 : memref<640x64xf32, #tpu.memory_space<vmem_shared>>) target(%dma_start3A_28 : memref<640x64xf32, #tpu.memory_space<hbm>>) target_semaphore(%run_scoped3A : memref<!tpu.dma_semaphore, #tpu.memory_space<semaphore_mem>>)
      %dma_wait3A = arith.constant 0 : i32
      %dma_wait3A_31 = arith.constant 0 : i32
      %dma_wait3A_32 = tpu.memref_slice %arg5[%arg0, %dma_wait3A, %dma_wait3A_31] : memref<2x10240x64xf32, #tpu.memory_space<hbm>> -> memref<1x10240x64xf32, #tpu.memory_space<hbm>>
      %dma_wait3A_33 = tpu.memref_squeeze %dma_wait3A_32 : memref<1x10240x64xf32, #tpu.memory_space<hbm>> -> memref<10240x64xf32, #tpu.memory_space<hbm>>
      %dma_wait3A_34 = arith.constant 0 : i32
      %dma_wait3A_35 = tpu.memref_slice %dma_wait3A_33[%mul3A_23, %dma_wait3A_34] : memref<10240x64xf32, #tpu.memory_space<hbm>> -> memref<640x64xf32, #tpu.memory_space<hbm>>
      %dma_wait3A_36 = arith.constant 0 : i32
      %dma_wait3A_37 = tpu.memref_slice %arg12[%mul3A_23, %dma_wait3A_36] : memref<10240x64xf32, #tpu.memory_space<vmem_shared>> -> memref<640x64xf32, #tpu.memory_space<vmem_shared>>
      tpu.wait_dma2 semaphore(%run_scoped3A : memref<!tpu.dma_semaphore, #tpu.memory_space<semaphore_mem>>) src(%dma_wait3A_37 : memref<640x64xf32, #tpu.memory_space<vmem_shared>>) dst(%dma_wait3A_35 : memref<640x64xf32, #tpu.memory_space<hbm>>)
      tpu.yield
    }) : () -> ()
    return
  }
}

#map = affine_map<(d0, d1) -> (0, 0, 0)>
module attributes {stable_mosaic.version = 14 : i64} {
  func.func @_sc_scatter_body(%arg0: i32, %arg1: i32, %arg2: memref<16x160x128xi32, #tpu.memory_space<hbm>>, %arg3: memref<16x160x128xi32, #tpu.memory_space<hbm>>, %arg4: memref<2x10000x64xf32, #tpu.memory_space<hbm>>, %arg5: memref<2x10240x64xf32, #tpu.memory_space<hbm>>, %arg6: memref<40x128xi32, #tpu.memory_space<vmem>>, %arg7: memref<40x128xi32, #tpu.memory_space<vmem>>, %arg8: memref<128x64xf32, #tpu.memory_space<vmem>>, %arg9: memref<128x64xf32, #tpu.memory_space<vmem>>, %arg10: memref<128x64xf32, #tpu.memory_space<vmem>>, %arg11: memref<128x64xf32, #tpu.memory_space<vmem>>, %arg12: memref<10240x64xf32, #tpu.memory_space<vmem_shared>>, %arg13: memref<10000x64xf32, #tpu.memory_space<vmem_shared>>, %arg14: memref<!tpu.dma_semaphore, #tpu.memory_space<semaphore_mem>>, %arg15: memref<!tpu.dma_semaphore, #tpu.memory_space<semaphore_mem>>, %arg16: memref<!tpu.dma_semaphore, #tpu.memory_space<semaphore_mem>>, %arg17: memref<!tpu.dma_semaphore, #tpu.memory_space<semaphore_mem>>, %arg18: memref<!tpu.dma_semaphore, #tpu.memory_space<semaphore_mem>>, %arg19: memref<!tpu.dma_semaphore, #tpu.memory_space<semaphore_mem>>, %arg20: memref<!tpu.dma_semaphore, #tpu.memory_space<semaphore_mem>>, %arg21: memref<!tpu.dma_semaphore, #tpu.memory_space<semaphore_mem>>) attributes {dimension_semantics = [#tpu.dimension_semantics<core_parallel>, #tpu.dimension_semantics<subcore_parallel>], iteration_bounds = array<i64: 2, 16>, scalar_prefetch = 0 : i64, scratch_operands = 16 : i64, tpu.core_type = #tpu.core_type<sc_vector_subcore>, window_params = [{transform_indices = #map}, {transform_indices = #map}, {transform_indices = #map}, {transform_indices = #map}]} {
    %mul3A = arith.constant 625 : i32
    %mul3A_0 = arith.muli %arg1, %mul3A : i32
    "tpu.region"() ({
      %run_scoped3A = tpu.sem_alloc : memref<!tpu.dma_semaphore, #tpu.memory_space<semaphore_mem>>
      %dma_start3A = arith.constant 0 : i32
      %dma_start3A_24 = tpu.memref_slice %arg13[%mul3A_0, %dma_start3A] : memref<10000x64xf32, #tpu.memory_space<vmem_shared>> -> memref<625x64xf32, #tpu.memory_space<vmem_shared>>
      %dma_start3A_25 = arith.constant 0 : i32
      %dma_start3A_26 = arith.constant 0 : i32
      %dma_start3A_27 = tpu.memref_slice %arg4[%arg0, %dma_start3A_25, %dma_start3A_26] : memref<2x10000x64xf32, #tpu.memory_space<hbm>> -> memref<1x10000x64xf32, #tpu.memory_space<hbm>>
      %dma_start3A_28 = tpu.memref_squeeze %dma_start3A_27 : memref<1x10000x64xf32, #tpu.memory_space<hbm>> -> memref<10000x64xf32, #tpu.memory_space<hbm>>
      %dma_start3A_29 = arith.constant 0 : i32
      %dma_start3A_30 = tpu.memref_slice %dma_start3A_28[%mul3A_0, %dma_start3A_29] : memref<10000x64xf32, #tpu.memory_space<hbm>> -> memref<625x64xf32, #tpu.memory_space<hbm>>
      tpu.enqueue_dma source(%dma_start3A_30 : memref<625x64xf32, #tpu.memory_space<hbm>>) target(%dma_start3A_24 : memref<625x64xf32, #tpu.memory_space<vmem_shared>>) target_semaphore(%run_scoped3A : memref<!tpu.dma_semaphore, #tpu.memory_space<semaphore_mem>>)
      %dma_wait3A = arith.constant 0 : i32
      %dma_wait3A_31 = tpu.memref_slice %arg13[%mul3A_0, %dma_wait3A] : memref<10000x64xf32, #tpu.memory_space<vmem_shared>> -> memref<625x64xf32, #tpu.memory_space<vmem_shared>>
      %dma_wait3A_32 = arith.constant 0 : i32
      %dma_wait3A_33 = arith.constant 0 : i32
      %dma_wait3A_34 = tpu.memref_slice %arg4[%arg0, %dma_wait3A_32, %dma_wait3A_33] : memref<2x10000x64xf32, #tpu.memory_space<hbm>> -> memref<1x10000x64xf32, #tpu.memory_space<hbm>>
      %dma_wait3A_35 = tpu.memref_squeeze %dma_wait3A_34 : memref<1x10000x64xf32, #tpu.memory_space<hbm>> -> memref<10000x64xf32, #tpu.memory_space<hbm>>
      %dma_wait3A_36 = arith.constant 0 : i32
      %dma_wait3A_37 = tpu.memref_slice %dma_wait3A_35[%mul3A_0, %dma_wait3A_36] : memref<10000x64xf32, #tpu.memory_space<hbm>> -> memref<625x64xf32, #tpu.memory_space<hbm>>
      tpu.wait_dma2 semaphore(%run_scoped3A : memref<!tpu.dma_semaphore, #tpu.memory_space<semaphore_mem>>) src(%dma_wait3A_37 : memref<625x64xf32, #tpu.memory_space<hbm>>) dst(%dma_wait3A_31 : memref<625x64xf32, #tpu.memory_space<vmem_shared>>)
      tpu.yield
    }) : () -> ()
    %scan3A = arith.constant 0 : i32
    %scan3A_1 = arith.constant 0 : i32
    %scan3A_2 = arith.constant 512 : i32
    %scan3A_3 = arith.addi %scan3A_1, %scan3A_2 : i32
    %scan3A_4 = arith.constant 1 : i32
    %scan3A_5 = scf.for %scan3A_24 = %scan3A_1 to %scan3A_3 step %scan3A_4 iter_args(%scan3A_25 = %scan3A) -> (i32)  : i32 {
      %broadcast_in_dim3A = arith.constant 0.000000e+00 : f32
      %broadcast_in_dim3A_26 = vector.broadcast %broadcast_in_dim3A : f32 to vector<16xf32>
      %jit3A = arith.constant 4 : i32
      %div3A = arith.divsi %scan3A_24, %jit3A : i32
      %sign3A = arith.constant 0 : i32
      %sign3A_27 = arith.cmpi sgt, %scan3A_24, %sign3A : i32
      %sign3A_28 = arith.extui %sign3A_27 : i1 to i32
      %sign3A_29 = arith.constant 0 : i32
      %sign3A_30 = arith.cmpi slt, %scan3A_24, %sign3A_29 : i32
      %sign3A_31 = arith.extui %sign3A_30 : i1 to i32
      %sign3A_32 = arith.subi %sign3A_28, %sign3A_31 : i32
      %sign3A_33 = arith.constant 0 : i32
      %sign3A_34 = arith.cmpi sgt, %jit3A, %sign3A_33 : i32
      %sign3A_35 = arith.extui %sign3A_34 : i1 to i32
      %sign3A_36 = arith.constant 0 : i32
      %sign3A_37 = arith.cmpi slt, %jit3A, %sign3A_36 : i32
      %sign3A_38 = arith.extui %sign3A_37 : i1 to i32
      %sign3A_39 = arith.subi %sign3A_35, %sign3A_38 : i32
      %ne3A = arith.cmpi ne, %sign3A_32, %sign3A_39 : i32
      %rem3A = arith.remsi %scan3A_24, %jit3A : i32
      %ne3A_40 = arith.constant 0 : i32
      %ne3A_41 = arith.cmpi ne, %rem3A, %ne3A_40 : i32
      %and3A = arith.andi %ne3A, %ne3A_41 : i1
      %sub3A = arith.constant 1 : i32
      %sub3A_42 = arith.subi %div3A, %sub3A : i32
      %select_n3A = arith.select %and3A, %sub3A_42, %div3A : i32
      %jit3A_43 = arith.constant 4 : i32
      %eq3A = arith.constant 0 : i32
      %eq3A_44 = arith.cmpi eq, %jit3A_43, %eq3A : i32
      %jit3A_45 = arith.constant 1 : i32
      %select_n3A_46 = arith.select %eq3A_44, %jit3A_45, %jit3A_43 : i32
      %rem3A_47 = arith.remsi %scan3A_24, %select_n3A_46 : i32
      %ne3A_48 = arith.constant 0 : i32
      %ne3A_49 = arith.cmpi ne, %rem3A_47, %ne3A_48 : i32
      %lt3A = arith.constant 0 : i32
      %lt3A_50 = arith.cmpi slt, %rem3A_47, %lt3A : i32
      %lt3A_51 = arith.constant 0 : i32
      %lt3A_52 = arith.cmpi slt, %select_n3A_46, %lt3A_51 : i32
      %ne3A_53 = arith.xori %lt3A_50, %lt3A_52 : i1
      %and3A_54 = arith.andi %ne3A_53, %ne3A_49 : i1
      %add3A = arith.addi %rem3A_47, %select_n3A_46 : i32
      %select_n3A_55 = arith.select %and3A_54, %add3A, %rem3A_47 : i32
      %mul3A_56 = arith.constant 16 : i32
      %mul3A_57 = arith.muli %select_n3A_55, %mul3A_56 : i32
      %swap3A = arith.index_cast %select_n3A : i32 to index
      %swap3A_58 = arith.index_cast %mul3A_57 : i32 to index
      %swap3A_59 = tpu.vector_load %arg8[%swap3A, %swap3A_58] {strides = array<i32>} : memref<128x64xf32, #tpu.memory_space<vmem>>, vector<1x16xf32>,
      %swap3A_60 = vector.shape_cast %swap3A_59 : vector<1x16xf32> to vector<16xf32>
      %swap3A_61 = vector.shape_cast %broadcast_in_dim3A_26 : vector<16xf32> to vector<1x16xf32>
      tpu.vector_store %arg8[%swap3A, %swap3A_58], %swap3A_61 {strides = array<i32>} : memref<128x64xf32, #tpu.memory_space<vmem>>, vector<1x16xf32>,
      %scan3A_62 = arith.constant 0 : i32
      scf.yield %scan3A_62 : i32
    }
    %scan3A_6 = arith.constant 512 : i32
    %scan3A_7 = arith.constant 0 : i32
    %scan3A_8 = arith.constant 0 : i32
    %scan3A_9 = arith.constant 5 : i32
    %scan3A_10 = arith.addi %scan3A_8, %scan3A_9 : i32
    %scan3A_11 = arith.constant 1 : i32
    %scan3A_12 = scf.for %scan3A_24 = %scan3A_8 to %scan3A_10 step %scan3A_11 iter_args(%scan3A_25 = %scan3A_7) -> (i32)  : i32 {
      %mul3A_26 = arith.constant 640 : i32
      %mul3A_27 = arith.muli %arg1, %mul3A_26 : i32
      %mul3A_28 = arith.constant 128 : i32
      %mul3A_29 = arith.muli %scan3A_24, %mul3A_28 : i32
      %add3A = arith.addi %mul3A_27, %mul3A_29 : i32
      "tpu.region"() ({
        %run_scoped3A = tpu.sem_alloc : memref<!tpu.dma_semaphore, #tpu.memory_space<semaphore_mem>>
        %dma_start3A = arith.constant 0 : i32
        %dma_start3A_31 = tpu.memref_slice %arg12[%add3A, %dma_start3A] : memref<10240x64xf32, #tpu.memory_space<vmem_shared>> -> memref<128x64xf32, #tpu.memory_space<vmem_shared>>
        %dma_start3A_32 = arith.constant 0 : i32
        %dma_start3A_33 = tpu.memref_slice %arg12[%add3A, %dma_start3A_32] : memref<10240x64xf32, #tpu.memory_space<vmem_shared>> -> memref<128x64xf32, #tpu.memory_space<vmem_shared>>
        tpu.enqueue_dma source(%arg8 : memref<128x64xf32, #tpu.memory_space<vmem>>) target(%dma_start3A_33 : memref<128x64xf32, #tpu.memory_space<vmem_shared>>) target_semaphore(%run_scoped3A : memref<!tpu.dma_semaphore, #tpu.memory_space<semaphore_mem>>)
        %dma_wait3A = arith.constant 0 : i32
        %dma_wait3A_34 = tpu.memref_slice %arg12[%add3A, %dma_wait3A] : memref<10240x64xf32, #tpu.memory_space<vmem_shared>> -> memref<128x64xf32, #tpu.memory_space<vmem_shared>>
        %dma_wait3A_35 = arith.constant 0 : i32
        %dma_wait3A_36 = tpu.memref_slice %arg12[%add3A, %dma_wait3A_35] : memref<10240x64xf32, #tpu.memory_space<vmem_shared>> -> memref<128x64xf32, #tpu.memory_space<vmem_shared>>
        tpu.wait_dma2 semaphore(%run_scoped3A : memref<!tpu.dma_semaphore, #tpu.memory_space<semaphore_mem>>) src(%arg8 : memref<128x64xf32, #tpu.memory_space<vmem>>) dst(%dma_wait3A_36 : memref<128x64xf32, #tpu.memory_space<vmem_shared>>)
        tpu.yield
      }) : () -> ()
      %scan3A_30 = arith.constant 0 : i32
      scf.yield %scan3A_30 : i32
    }
    %scan3A_13 = arith.constant 5 : i32
    %barrier3A = arith.constant 0 : index
    tpu.barrier barrier_id(%barrier3A)
    %scan3A_14 = arith.constant 0 : i32
    %scan3A_15 = arith.constant 0 : i32
    %scan3A_16 = arith.constant 4 : i32
    %scan3A_17 = arith.addi %scan3A_15, %scan3A_16 : i32
    %scan3A_18 = arith.constant 1 : i32
    %scan3A_19 = scf.for %scan3A_24 = %scan3A_15 to %scan3A_17 step %scan3A_18 iter_args(%scan3A_25 = %scan3A_14) -> (i32)  : i32 {
      %mul3A_26 = arith.constant 40 : i32
      %mul3A_27 = arith.muli %scan3A_24, %mul3A_26 : i32
      "tpu.region"() ({
        %run_scoped3A = tpu.sem_alloc : memref<!tpu.dma_semaphore, #tpu.memory_space<semaphore_mem>>
        %dma_start3A_64 = arith.constant 0 : i32
        %dma_start3A_65 = arith.constant 0 : i32
        %dma_start3A_66 = tpu.memref_slice %arg2[%arg1, %dma_start3A_64, %dma_start3A_65] : memref<16x160x128xi32, #tpu.memory_space<hbm>> -> memref<1x160x128xi32, #tpu.memory_space<hbm>>
        %dma_start3A_67 = tpu.memref_squeeze %dma_start3A_66 : memref<1x160x128xi32, #tpu.memory_space<hbm>> -> memref<160x128xi32, #tpu.memory_space<hbm>>
        %dma_start3A_68 = arith.constant 0 : i32
        %dma_start3A_69 = tpu.memref_slice %dma_start3A_67[%mul3A_27, %dma_start3A_68] : memref<160x128xi32, #tpu.memory_space<hbm>> -> memref<40x128xi32, #tpu.memory_space<hbm>>
        %dma_start3A_70 = arith.constant 0 : i32
        %dma_start3A_71 = arith.constant 0 : i32
        %dma_start3A_72 = tpu.memref_slice %arg2[%arg1, %dma_start3A_70, %dma_start3A_71] : memref<16x160x128xi32, #tpu.memory_space<hbm>> -> memref<1x160x128xi32, #tpu.memory_space<hbm>>
        %dma_start3A_73 = tpu.memref_squeeze %dma_start3A_72 : memref<1x160x128xi32, #tpu.memory_space<hbm>> -> memref<160x128xi32, #tpu.memory_space<hbm>>
        %dma_start3A_74 = arith.constant 0 : i32
        %dma_start3A_75 = tpu.memref_slice %dma_start3A_73[%mul3A_27, %dma_start3A_74] : memref<160x128xi32, #tpu.memory_space<hbm>> -> memref<40x128xi32, #tpu.memory_space<hbm>>
        tpu.enqueue_dma source(%dma_start3A_75 : memref<40x128xi32, #tpu.memory_space<hbm>>) target(%arg6 : memref<40x128xi32, #tpu.memory_space<vmem>>) target_semaphore(%run_scoped3A : memref<!tpu.dma_semaphore, #tpu.memory_space<semaphore_mem>>)
        %dma_wait3A_76 = arith.constant 0 : i32
        %dma_wait3A_77 = arith.constant 0 : i32
        %dma_wait3A_78 = tpu.memref_slice %arg2[%arg1, %dma_wait3A_76, %dma_wait3A_77] : memref<16x160x128xi32, #tpu.memory_space<hbm>> -> memref<1x160x128xi32, #tpu.memory_space<hbm>>
        %dma_wait3A_79 = tpu.memref_squeeze %dma_wait3A_78 : memref<1x160x128xi32, #tpu.memory_space<hbm>> -> memref<160x128xi32, #tpu.memory_space<hbm>>
        %dma_wait3A_80 = arith.constant 0 : i32
        %dma_wait3A_81 = tpu.memref_slice %dma_wait3A_79[%mul3A_27, %dma_wait3A_80] : memref<160x128xi32, #tpu.memory_space<hbm>> -> memref<40x128xi32, #tpu.memory_space<hbm>>
        %dma_wait3A_82 = arith.constant 0 : i32
        %dma_wait3A_83 = arith.constant 0 : i32
        %dma_wait3A_84 = tpu.memref_slice %arg2[%arg1, %dma_wait3A_82, %dma_wait3A_83] : memref<16x160x128xi32, #tpu.memory_space<hbm>> -> memref<1x160x128xi32, #tpu.memory_space<hbm>>
        %dma_wait3A_85 = tpu.memref_squeeze %dma_wait3A_84 : memref<1x160x128xi32, #tpu.memory_space<hbm>> -> memref<160x128xi32, #tpu.memory_space<hbm>>
        %dma_wait3A_86 = arith.constant 0 : i32
        %dma_wait3A_87 = tpu.memref_slice %dma_wait3A_85[%mul3A_27, %dma_wait3A_86] : memref<160x128xi32, #tpu.memory_space<hbm>> -> memref<40x128xi32, #tpu.memory_space<hbm>>
        tpu.wait_dma2 semaphore(%run_scoped3A : memref<!tpu.dma_semaphore, #tpu.memory_space<semaphore_mem>>) src(%dma_wait3A_87 : memref<40x128xi32, #tpu.memory_space<hbm>>) dst(%arg6 : memref<40x128xi32, #tpu.memory_space<vmem>>)
        tpu.yield
      }) : () -> ()
      %mul3A_28 = arith.constant 40 : i32
      %mul3A_29 = arith.muli %scan3A_24, %mul3A_28 : i32
      "tpu.region"() ({
        %run_scoped3A = tpu.sem_alloc : memref<!tpu.dma_semaphore, #tpu.memory_space<semaphore_mem>>
        %dma_start3A_64 = arith.constant 0 : i32
        %dma_start3A_65 = arith.constant 0 : i32
        %dma_start3A_66 = tpu.memref_slice %arg3[%arg1, %dma_start3A_64, %dma_start3A_65] : memref<16x160x128xi32, #tpu.memory_space<hbm>> -> memref<1x160x128xi32, #tpu.memory_space<hbm>>
        %dma_start3A_67 = tpu.memref_squeeze %dma_start3A_66 : memref<1x160x128xi32, #tpu.memory_space<hbm>> -> memref<160x128xi32, #tpu.memory_space<hbm>>
        %dma_start3A_68 = arith.constant 0 : i32
        %dma_start3A_69 = tpu.memref_slice %dma_start3A_67[%mul3A_29, %dma_start3A_68] : memref<160x128xi32, #tpu.memory_space<hbm>> -> memref<40x128xi32, #tpu.memory_space<hbm>>
        %dma_start3A_70 = arith.constant 0 : i32
        %dma_start3A_71 = arith.constant 0 : i32
        %dma_start3A_72 = tpu.memref_slice %arg3[%arg1, %dma_start3A_70, %dma_start3A_71] : memref<16x160x128xi32, #tpu.memory_space<hbm>> -> memref<1x160x128xi32, #tpu.memory_space<hbm>>
        %dma_start3A_73 = tpu.memref_squeeze %dma_start3A_72 : memref<1x160x128xi32, #tpu.memory_space<hbm>> -> memref<160x128xi32, #tpu.memory_space<hbm>>
        %dma_start3A_74 = arith.constant 0 : i32
        %dma_start3A_75 = tpu.memref_slice %dma_start3A_73[%mul3A_29, %dma_start3A_74] : memref<160x128xi32, #tpu.memory_space<hbm>> -> memref<40x128xi32, #tpu.memory_space<hbm>>
        tpu.enqueue_dma source(%dma_start3A_75 : memref<40x128xi32, #tpu.memory_space<hbm>>) target(%arg7 : memref<40x128xi32, #tpu.memory_space<vmem>>) target_semaphore(%run_scoped3A : memref<!tpu.dma_semaphore, #tpu.memory_space<semaphore_mem>>)
        %dma_wait3A_76 = arith.constant 0 : i32
        %dma_wait3A_77 = arith.constant 0 : i32
        %dma_wait3A_78 = tpu.memref_slice %arg3[%arg1, %dma_wait3A_76, %dma_wait3A_77] : memref<16x160x128xi32, #tpu.memory_space<hbm>> -> memref<1x160x128xi32, #tpu.memory_space<hbm>>
        %dma_wait3A_79 = tpu.memref_squeeze %dma_wait3A_78 : memref<1x160x128xi32, #tpu.memory_space<hbm>> -> memref<160x128xi32, #tpu.memory_space<hbm>>
        %dma_wait3A_80 = arith.constant 0 : i32
        %dma_wait3A_81 = tpu.memref_slice %dma_wait3A_79[%mul3A_29, %dma_wait3A_80] : memref<160x128xi32, #tpu.memory_space<hbm>> -> memref<40x128xi32, #tpu.memory_space<hbm>>
        %dma_wait3A_82 = arith.constant 0 : i32
        %dma_wait3A_83 = arith.constant 0 : i32
        %dma_wait3A_84 = tpu.memref_slice %arg3[%arg1, %dma_wait3A_82, %dma_wait3A_83] : memref<16x160x128xi32, #tpu.memory_space<hbm>> -> memref<1x160x128xi32, #tpu.memory_space<hbm>>
        %dma_wait3A_85 = tpu.memref_squeeze %dma_wait3A_84 : memref<1x160x128xi32, #tpu.memory_space<hbm>> -> memref<160x128xi32, #tpu.memory_space<hbm>>
        %dma_wait3A_86 = arith.constant 0 : i32
        %dma_wait3A_87 = tpu.memref_slice %dma_wait3A_85[%mul3A_29, %dma_wait3A_86] : memref<160x128xi32, #tpu.memory_space<hbm>> -> memref<40x128xi32, #tpu.memory_space<hbm>>
        tpu.wait_dma2 semaphore(%run_scoped3A : memref<!tpu.dma_semaphore, #tpu.memory_space<semaphore_mem>>) src(%dma_wait3A_87 : memref<40x128xi32, #tpu.memory_space<hbm>>) dst(%arg7 : memref<40x128xi32, #tpu.memory_space<vmem>>)
        tpu.yield
      }) : () -> ()
      %dma_start3A = arith.constant 0 : i32
      %dma_start3A_30 = arith.constant 0 : i32
      %dma_start3A_31 = tpu.memref_slice %arg6[%dma_start3A, %dma_start3A_30] : memref<40x128xi32, #tpu.memory_space<vmem>> -> memref<1x128xi32, #tpu.memory_space<vmem>>
      %dma_start3A_32 = tpu.memref_squeeze %dma_start3A_31 : memref<1x128xi32, #tpu.memory_space<vmem>> -> memref<128xi32, #tpu.memory_space<vmem>>
      %dma_start3A_33 = arith.constant 0 : i32
      %dma_start3A_34 = arith.constant 0 : i32
      %dma_start3A_35 = tpu.memref_slice %arg13[%dma_start3A_33, %dma_start3A_34] : memref<10000x64xf32, #tpu.memory_space<vmem_shared>> -> memref<10000x64xf32, #tpu.memory_space<vmem_shared>>
      tpu.enqueue_indirect_dma source(%dma_start3A_35 : memref<10000x64xf32, #tpu.memory_space<vmem_shared>>) target(%arg8 : memref<128x64xf32, #tpu.memory_space<vmem>>) offsets(%dma_start3A_32 : memref<128xi32, #tpu.memory_space<vmem>>) semaphore(%arg14 : memref<!tpu.dma_semaphore, #tpu.memory_space<semaphore_mem>>)
      %dma_start3A_36 = arith.constant 1 : i32
      %dma_start3A_37 = arith.constant 0 : i32
      %dma_start3A_38 = tpu.memref_slice %arg6[%dma_start3A_36, %dma_start3A_37] : memref<40x128xi32, #tpu.memory_space<vmem>> -> memref<1x128xi32, #tpu.memory_space<vmem>>
      %dma_start3A_39 = tpu.memref_squeeze %dma_start3A_38 : memref<1x128xi32, #tpu.memory_space<vmem>> -> memref<128xi32, #tpu.memory_space<vmem>>
      %dma_start3A_40 = arith.constant 0 : i32
      %dma_start3A_41 = arith.constant 0 : i32
      %dma_start3A_42 = tpu.memref_slice %arg13[%dma_start3A_40, %dma_start3A_41] : memref<10000x64xf32, #tpu.memory_space<vmem_shared>> -> memref<10000x64xf32, #tpu.memory_space<vmem_shared>>
      tpu.enqueue_indirect_dma source(%dma_start3A_42 : memref<10000x64xf32, #tpu.memory_space<vmem_shared>>) target(%arg9 : memref<128x64xf32, #tpu.memory_space<vmem>>) offsets(%dma_start3A_39 : memref<128xi32, #tpu.memory_space<vmem>>) semaphore(%arg15 : memref<!tpu.dma_semaphore, #tpu.memory_space<semaphore_mem>>)
      %scan3A_43 = arith.constant 0 : i32
      %scan3A_44 = arith.constant 0 : i32
      %scan3A_45 = arith.constant 10 : i32
      %scan3A_46 = arith.addi %scan3A_44, %scan3A_45 : i32
      %scan3A_47 = arith.constant 1 : i32
      %scan3A_48 = scf.for %scan3A_64 = %scan3A_44 to %scan3A_46 step %scan3A_47 iter_args(%scan3A_65 = %scan3A_43) -> (i32)  : i32 {
        %mul3A_66 = arith.constant 4 : i32
        %mul3A_67 = arith.muli %scan3A_64, %mul3A_66 : i32
        %add3A = arith.constant 0 : i32
        %add3A_68 = arith.addi %mul3A_67, %add3A : i32
        %dma_wait3A_69 = arith.constant 0 : i32
        %dma_wait3A_70 = tpu.memref_slice %arg6[%add3A_68, %dma_wait3A_69] : memref<40x128xi32, #tpu.memory_space<vmem>> -> memref<1x128xi32, #tpu.memory_space<vmem>>
        %dma_wait3A_71 = tpu.memref_squeeze %dma_wait3A_70 : memref<1x128xi32, #tpu.memory_space<vmem>> -> memref<128xi32, #tpu.memory_space<vmem>>
        %dma_wait3A_72 = arith.constant 0 : i32
        %dma_wait3A_73 = arith.constant 0 : i32
        %dma_wait3A_74 = tpu.memref_slice %arg13[%dma_wait3A_72, %dma_wait3A_73] : memref<10000x64xf32, #tpu.memory_space<vmem_shared>> -> memref<10000x64xf32, #tpu.memory_space<vmem_shared>>
        tpu.wait_indirect_dma semaphore(%arg14 : memref<!tpu.dma_semaphore, #tpu.memory_space<semaphore_mem>>) src(%dma_wait3A_74 : memref<10000x64xf32, #tpu.memory_space<vmem_shared>>) dst(%arg8 : memref<128x64xf32, #tpu.memory_space<vmem>>)
        %dma_start3A_75 = arith.constant 0 : i32
        %dma_start3A_76 = tpu.memref_slice %arg7[%add3A_68, %dma_start3A_75] : memref<40x128xi32, #tpu.memory_space<vmem>> -> memref<1x128xi32, #tpu.memory_space<vmem>>
        %dma_start3A_77 = tpu.memref_squeeze %dma_start3A_76 : memref<1x128xi32, #tpu.memory_space<vmem>> -> memref<128xi32, #tpu.memory_space<vmem>>
        %dma_start3A_78 = arith.constant 0 : i32
        %dma_start3A_79 = arith.constant 0 : i32
        %dma_start3A_80 = tpu.memref_slice %arg12[%dma_start3A_78, %dma_start3A_79] : memref<10240x64xf32, #tpu.memory_space<vmem_shared>> -> memref<10240x64xf32, #tpu.memory_space<vmem_shared>>
        tpu.enqueue_indirect_dma source(%arg8 : memref<128x64xf32, #tpu.memory_space<vmem>>) target(%dma_start3A_80 : memref<10240x64xf32, #tpu.memory_space<vmem_shared>>) offsets(%dma_start3A_77 : memref<128xi32, #tpu.memory_space<vmem>>) semaphore(%arg18 : memref<!tpu.dma_semaphore, #tpu.memory_space<semaphore_mem>>) {add = true}
        %ge3A = arith.constant 2 : i32
        %ge3A_81 = arith.cmpi sge, %add3A_68, %ge3A : i32
        %convert_element_type3A = arith.extui %ge3A_81 : i1 to i32
        %cond3A = arith.constant 0 : i32
        %cond3A_82 = arith.cmpi ne, %convert_element_type3A, %cond3A : i32
        scf.if %cond3A_82 {
          %sub3A = arith.constant 2 : i32
          %sub3A_168 = arith.subi %add3A_68, %sub3A : i32
          %dma_wait3A_169 = arith.constant 0 : i32
          %dma_wait3A_170 = tpu.memref_slice %arg7[%sub3A_168, %dma_wait3A_169] : memref<40x128xi32, #tpu.memory_space<vmem>> -> memref<1x128xi32, #tpu.memory_space<vmem>>
          %dma_wait3A_171 = tpu.memref_squeeze %dma_wait3A_170 : memref<1x128xi32, #tpu.memory_space<vmem>> -> memref<128xi32, #tpu.memory_space<vmem>>
          %dma_wait3A_172 = arith.constant 0 : i32
          %dma_wait3A_173 = arith.constant 0 : i32
          %dma_wait3A_174 = tpu.memref_slice %arg12[%dma_wait3A_172, %dma_wait3A_173] : memref<10240x64xf32, #tpu.memory_space<vmem_shared>> -> memref<10240x64xf32, #tpu.memory_space<vmem_shared>>
          tpu.wait_indirect_dma semaphore(%arg20 : memref<!tpu.dma_semaphore, #tpu.memory_space<semaphore_mem>>) src(%arg10 : memref<128x64xf32, #tpu.memory_space<vmem>>) dst(%dma_wait3A_174 : memref<10240x64xf32, #tpu.memory_space<vmem_shared>>)
        } else {
        }
        %add3A_83 = arith.constant 2 : i32
        %add3A_84 = arith.addi %add3A_68, %add3A_83 : i32
        %lt3A = arith.constant 40 : i32
        %lt3A_85 = arith.cmpi slt, %add3A_84, %lt3A : i32
        %convert_element_type3A_86 = arith.extui %lt3A_85 : i1 to i32
        %cond3A_87 = arith.constant 0 : i32
        %cond3A_88 = arith.cmpi ne, %convert_element_type3A_86, %cond3A_87 : i32
        scf.if %cond3A_88 {
          %add3A_168 = arith.constant 2 : i32
          %add3A_169 = arith.addi %add3A_68, %add3A_168 : i32
          %dma_start3A_170 = arith.constant 0 : i32
          %dma_start3A_171 = tpu.memref_slice %arg6[%add3A_169, %dma_start3A_170] : memref<40x128xi32, #tpu.memory_space<vmem>> -> memref<1x128xi32, #tpu.memory_space<vmem>>
          %dma_start3A_172 = tpu.memref_squeeze %dma_start3A_171 : memref<1x128xi32, #tpu.memory_space<vmem>> -> memref<128xi32, #tpu.memory_space<vmem>>
          %dma_start3A_173 = arith.constant 0 : i32
          %dma_start3A_174 = arith.constant 0 : i32
          %dma_start3A_175 = tpu.memref_slice %arg13[%dma_start3A_173, %dma_start3A_174] : memref<10000x64xf32, #tpu.memory_space<vmem_shared>> -> memref<10000x64xf32, #tpu.memory_space<vmem_shared>>
          tpu.enqueue_indirect_dma source(%dma_start3A_175 : memref<10000x64xf32, #tpu.memory_space<vmem_shared>>) target(%arg10 : memref<128x64xf32, #tpu.memory_space<vmem>>) offsets(%dma_start3A_172 : memref<128xi32, #tpu.memory_space<vmem>>) semaphore(%arg16 : memref<!tpu.dma_semaphore, #tpu.memory_space<semaphore_mem>>)
        } else {
        }
        %add3A_89 = arith.constant 1 : i32
        %add3A_90 = arith.addi %mul3A_67, %add3A_89 : i32
        %dma_wait3A_91 = arith.constant 0 : i32
        %dma_wait3A_92 = tpu.memref_slice %arg6[%add3A_90, %dma_wait3A_91] : memref<40x128xi32, #tpu.memory_space<vmem>> -> memref<1x128xi32, #tpu.memory_space<vmem>>
        %dma_wait3A_93 = tpu.memref_squeeze %dma_wait3A_92 : memref<1x128xi32, #tpu.memory_space<vmem>> -> memref<128xi32, #tpu.memory_space<vmem>>
        %dma_wait3A_94 = arith.constant 0 : i32
        %dma_wait3A_95 = arith.constant 0 : i32
        %dma_wait3A_96 = tpu.memref_slice %arg13[%dma_wait3A_94, %dma_wait3A_95] : memref<10000x64xf32, #tpu.memory_space<vmem_shared>> -> memref<10000x64xf32, #tpu.memory_space<vmem_shared>>
        tpu.wait_indirect_dma semaphore(%arg15 : memref<!tpu.dma_semaphore, #tpu.memory_space<semaphore_mem>>) src(%dma_wait3A_96 : memref<10000x64xf32, #tpu.memory_space<vmem_shared>>) dst(%arg9 : memref<128x64xf32, #tpu.memory_space<vmem>>)
        %dma_start3A_97 = arith.constant 0 : i32
        %dma_start3A_98 = tpu.memref_slice %arg7[%add3A_90, %dma_start3A_97] : memref<40x128xi32, #tpu.memory_space<vmem>> -> memref<1x128xi32, #tpu.memory_space<vmem>>
        %dma_start3A_99 = tpu.memref_squeeze %dma_start3A_98 : memref<1x128xi32, #tpu.memory_space<vmem>> -> memref<128xi32, #tpu.memory_space<vmem>>
        %dma_start3A_100 = arith.constant 0 : i32
        %dma_start3A_101 = arith.constant 0 : i32
        %dma_start3A_102 = tpu.memref_slice %arg12[%dma_start3A_100, %dma_start3A_101] : memref<10240x64xf32, #tpu.memory_space<vmem_shared>> -> memref<10240x64xf32, #tpu.memory_space<vmem_shared>>
        tpu.enqueue_indirect_dma source(%arg9 : memref<128x64xf32, #tpu.memory_space<vmem>>) target(%dma_start3A_102 : memref<10240x64xf32, #tpu.memory_space<vmem_shared>>) offsets(%dma_start3A_99 : memref<128xi32, #tpu.memory_space<vmem>>) semaphore(%arg19 : memref<!tpu.dma_semaphore, #tpu.memory_space<semaphore_mem>>) {add = true}
        %ge3A_103 = arith.constant 2 : i32
        %ge3A_104 = arith.cmpi sge, %add3A_90, %ge3A_103 : i32
        %convert_element_type3A_105 = arith.extui %ge3A_104 : i1 to i32
        %cond3A_106 = arith.constant 0 : i32
        %cond3A_107 = arith.cmpi ne, %convert_element_type3A_105, %cond3A_106 : i32
        scf.if %cond3A_107 {
          %sub3A = arith.constant 2 : i32
          %sub3A_168 = arith.subi %add3A_90, %sub3A : i32
          %dma_wait3A_169 = arith.constant 0 : i32
          %dma_wait3A_170 = tpu.memref_slice %arg7[%sub3A_168, %dma_wait3A_169] : memref<40x128xi32, #tpu.memory_space<vmem>> -> memref<1x128xi32, #tpu.memory_space<vmem>>
          %dma_wait3A_171 = tpu.memref_squeeze %dma_wait3A_170 : memref<1x128xi32, #tpu.memory_space<vmem>> -> memref<128xi32, #tpu.memory_space<vmem>>
          %dma_wait3A_172 = arith.constant 0 : i32
          %dma_wait3A_173 = arith.constant 0 : i32
          %dma_wait3A_174 = tpu.memref_slice %arg12[%dma_wait3A_172, %dma_wait3A_173] : memref<10240x64xf32, #tpu.memory_space<vmem_shared>> -> memref<10240x64xf32, #tpu.memory_space<vmem_shared>>
          tpu.wait_indirect_dma semaphore(%arg21 : memref<!tpu.dma_semaphore, #tpu.memory_space<semaphore_mem>>) src(%arg11 : memref<128x64xf32, #tpu.memory_space<vmem>>) dst(%dma_wait3A_174 : memref<10240x64xf32, #tpu.memory_space<vmem_shared>>)
        } else {
        }
        %add3A_108 = arith.constant 2 : i32
        %add3A_109 = arith.addi %add3A_90, %add3A_108 : i32
        %lt3A_110 = arith.constant 40 : i32
        %lt3A_111 = arith.cmpi slt, %add3A_109, %lt3A_110 : i32
        %convert_element_type3A_112 = arith.extui %lt3A_111 : i1 to i32
        %cond3A_113 = arith.constant 0 : i32
        %cond3A_114 = arith.cmpi ne, %convert_element_type3A_112, %cond3A_113 : i32
        scf.if %cond3A_114 {
          %add3A_168 = arith.constant 2 : i32
          %add3A_169 = arith.addi %add3A_90, %add3A_168 : i32
          %dma_start3A_170 = arith.constant 0 : i32
          %dma_start3A_171 = tpu.memref_slice %arg6[%add3A_169, %dma_start3A_170] : memref<40x128xi32, #tpu.memory_space<vmem>> -> memref<1x128xi32, #tpu.memory_space<vmem>>
          %dma_start3A_172 = tpu.memref_squeeze %dma_start3A_171 : memref<1x128xi32, #tpu.memory_space<vmem>> -> memref<128xi32, #tpu.memory_space<vmem>>
          %dma_start3A_173 = arith.constant 0 : i32
          %dma_start3A_174 = arith.constant 0 : i32
          %dma_start3A_175 = tpu.memref_slice %arg13[%dma_start3A_173, %dma_start3A_174] : memref<10000x64xf32, #tpu.memory_space<vmem_shared>> -> memref<10000x64xf32, #tpu.memory_space<vmem_shared>>
          tpu.enqueue_indirect_dma source(%dma_start3A_175 : memref<10000x64xf32, #tpu.memory_space<vmem_shared>>) target(%arg11 : memref<128x64xf32, #tpu.memory_space<vmem>>) offsets(%dma_start3A_172 : memref<128xi32, #tpu.memory_space<vmem>>) semaphore(%arg17 : memref<!tpu.dma_semaphore, #tpu.memory_space<semaphore_mem>>)
        } else {
        }
        %add3A_115 = arith.constant 2 : i32
        %add3A_116 = arith.addi %mul3A_67, %add3A_115 : i32
        %dma_wait3A_117 = arith.constant 0 : i32
        %dma_wait3A_118 = tpu.memref_slice %arg6[%add3A_116, %dma_wait3A_117] : memref<40x128xi32, #tpu.memory_space<vmem>> -> memref<1x128xi32, #tpu.memory_space<vmem>>
        %dma_wait3A_119 = tpu.memref_squeeze %dma_wait3A_118 : memref<1x128xi32, #tpu.memory_space<vmem>> -> memref<128xi32, #tpu.memory_space<vmem>>
        %dma_wait3A_120 = arith.constant 0 : i32
        %dma_wait3A_121 = arith.constant 0 : i32
        %dma_wait3A_122 = tpu.memref_slice %arg13[%dma_wait3A_120, %dma_wait3A_121] : memref<10000x64xf32, #tpu.memory_space<vmem_shared>> -> memref<10000x64xf32, #tpu.memory_space<vmem_shared>>
        tpu.wait_indirect_dma semaphore(%arg16 : memref<!tpu.dma_semaphore, #tpu.memory_space<semaphore_mem>>) src(%dma_wait3A_122 : memref<10000x64xf32, #tpu.memory_space<vmem_shared>>) dst(%arg10 : memref<128x64xf32, #tpu.memory_space<vmem>>)
        %dma_start3A_123 = arith.constant 0 : i32
        %dma_start3A_124 = tpu.memref_slice %arg7[%add3A_116, %dma_start3A_123] : memref<40x128xi32, #tpu.memory_space<vmem>> -> memref<1x128xi32, #tpu.memory_space<vmem>>
        %dma_start3A_125 = tpu.memref_squeeze %dma_start3A_124 : memref<1x128xi32, #tpu.memory_space<vmem>> -> memref<128xi32, #tpu.memory_space<vmem>>
        %dma_start3A_126 = arith.constant 0 : i32
        %dma_start3A_127 = arith.constant 0 : i32
        %dma_start3A_128 = tpu.memref_slice %arg12[%dma_start3A_126, %dma_start3A_127] : memref<10240x64xf32, #tpu.memory_space<vmem_shared>> -> memref<10240x64xf32, #tpu.memory_space<vmem_shared>>
        tpu.enqueue_indirect_dma source(%arg10 : memref<128x64xf32, #tpu.memory_space<vmem>>) target(%dma_start3A_128 : memref<10240x64xf32, #tpu.memory_space<vmem_shared>>) offsets(%dma_start3A_125 : memref<128xi32, #tpu.memory_space<vmem>>) semaphore(%arg20 : memref<!tpu.dma_semaphore, #tpu.memory_space<semaphore_mem>>) {add = true}
        %ge3A_129 = arith.constant 2 : i32
        %ge3A_130 = arith.cmpi sge, %add3A_116, %ge3A_129 : i32
        %convert_element_type3A_131 = arith.extui %ge3A_130 : i1 to i32
        %cond3A_132 = arith.constant 0 : i32
        %cond3A_133 = arith.cmpi ne, %convert_element_type3A_131, %cond3A_132 : i32
        scf.if %cond3A_133 {
          %sub3A = arith.constant 2 : i32
          %sub3A_168 = arith.subi %add3A_116, %sub3A : i32
          %dma_wait3A_169 = arith.constant 0 : i32
          %dma_wait3A_170 = tpu.memref_slice %arg7[%sub3A_168, %dma_wait3A_169] : memref<40x128xi32, #tpu.memory_space<vmem>> -> memref<1x128xi32, #tpu.memory_space<vmem>>
          %dma_wait3A_171 = tpu.memref_squeeze %dma_wait3A_170 : memref<1x128xi32, #tpu.memory_space<vmem>> -> memref<128xi32, #tpu.memory_space<vmem>>
          %dma_wait3A_172 = arith.constant 0 : i32
          %dma_wait3A_173 = arith.constant 0 : i32
          %dma_wait3A_174 = tpu.memref_slice %arg12[%dma_wait3A_172, %dma_wait3A_173] : memref<10240x64xf32, #tpu.memory_space<vmem_shared>> -> memref<10240x64xf32, #tpu.memory_space<vmem_shared>>
          tpu.wait_indirect_dma semaphore(%arg18 : memref<!tpu.dma_semaphore, #tpu.memory_space<semaphore_mem>>) src(%arg8 : memref<128x64xf32, #tpu.memory_space<vmem>>) dst(%dma_wait3A_174 : memref<10240x64xf32, #tpu.memory_space<vmem_shared>>)
        } else {
        }
        %add3A_134 = arith.constant 2 : i32
        %add3A_135 = arith.addi %add3A_116, %add3A_134 : i32
        %lt3A_136 = arith.constant 40 : i32
        %lt3A_137 = arith.cmpi slt, %add3A_135, %lt3A_136 : i32
        %convert_element_type3A_138 = arith.extui %lt3A_137 : i1 to i32
        %cond3A_139 = arith.constant 0 : i32
        %cond3A_140 = arith.cmpi ne, %convert_element_type3A_138, %cond3A_139 : i32
        scf.if %cond3A_140 {
          %add3A_168 = arith.constant 2 : i32
          %add3A_169 = arith.addi %add3A_116, %add3A_168 : i32
          %dma_start3A_170 = arith.constant 0 : i32
          %dma_start3A_171 = tpu.memref_slice %arg6[%add3A_169, %dma_start3A_170] : memref<40x128xi32, #tpu.memory_space<vmem>> -> memref<1x128xi32, #tpu.memory_space<vmem>>
          %dma_start3A_172 = tpu.memref_squeeze %dma_start3A_171 : memref<1x128xi32, #tpu.memory_space<vmem>> -> memref<128xi32, #tpu.memory_space<vmem>>
          %dma_start3A_173 = arith.constant 0 : i32
          %dma_start3A_174 = arith.constant 0 : i32
          %dma_start3A_175 = tpu.memref_slice %arg13[%dma_start3A_173, %dma_start3A_174] : memref<10000x64xf32, #tpu.memory_space<vmem_shared>> -> memref<10000x64xf32, #tpu.memory_space<vmem_shared>>
          tpu.enqueue_indirect_dma source(%dma_start3A_175 : memref<10000x64xf32, #tpu.memory_space<vmem_shared>>) target(%arg8 : memref<128x64xf32, #tpu.memory_space<vmem>>) offsets(%dma_start3A_172 : memref<128xi32, #tpu.memory_space<vmem>>) semaphore(%arg14 : memref<!tpu.dma_semaphore, #tpu.memory_space<semaphore_mem>>)
        } else {
        }
        %add3A_141 = arith.constant 3 : i32
        %add3A_142 = arith.addi %mul3A_67, %add3A_141 : i32
        %dma_wait3A_143 = arith.constant 0 : i32
        %dma_wait3A_144 = tpu.memref_slice %arg6[%add3A_142, %dma_wait3A_143] : memref<40x128xi32, #tpu.memory_space<vmem>> -> memref<1x128xi32, #tpu.memory_space<vmem>>
        %dma_wait3A_145 = tpu.memref_squeeze %dma_wait3A_144 : memref<1x128xi32, #tpu.memory_space<vmem>> -> memref<128xi32, #tpu.memory_space<vmem>>
        %dma_wait3A_146 = arith.constant 0 : i32
        %dma_wait3A_147 = arith.constant 0 : i32
        %dma_wait3A_148 = tpu.memref_slice %arg13[%dma_wait3A_146, %dma_wait3A_147] : memref<10000x64xf32, #tpu.memory_space<vmem_shared>> -> memref<10000x64xf32, #tpu.memory_space<vmem_shared>>
        tpu.wait_indirect_dma semaphore(%arg17 : memref<!tpu.dma_semaphore, #tpu.memory_space<semaphore_mem>>) src(%dma_wait3A_148 : memref<10000x64xf32, #tpu.memory_space<vmem_shared>>) dst(%arg11 : memref<128x64xf32, #tpu.memory_space<vmem>>)
        %dma_start3A_149 = arith.constant 0 : i32
        %dma_start3A_150 = tpu.memref_slice %arg7[%add3A_142, %dma_start3A_149] : memref<40x128xi32, #tpu.memory_space<vmem>> -> memref<1x128xi32, #tpu.memory_space<vmem>>
        %dma_start3A_151 = tpu.memref_squeeze %dma_start3A_150 : memref<1x128xi32, #tpu.memory_space<vmem>> -> memref<128xi32, #tpu.memory_space<vmem>>
        %dma_start3A_152 = arith.constant 0 : i32
        %dma_start3A_153 = arith.constant 0 : i32
        %dma_start3A_154 = tpu.memref_slice %arg12[%dma_start3A_152, %dma_start3A_153] : memref<10240x64xf32, #tpu.memory_space<vmem_shared>> -> memref<10240x64xf32, #tpu.memory_space<vmem_shared>>
        tpu.enqueue_indirect_dma source(%arg11 : memref<128x64xf32, #tpu.memory_space<vmem>>) target(%dma_start3A_154 : memref<10240x64xf32, #tpu.memory_space<vmem_shared>>) offsets(%dma_start3A_151 : memref<128xi32, #tpu.memory_space<vmem>>) semaphore(%arg21 : memref<!tpu.dma_semaphore, #tpu.memory_space<semaphore_mem>>) {add = true}
        %ge3A_155 = arith.constant 2 : i32
        %ge3A_156 = arith.cmpi sge, %add3A_142, %ge3A_155 : i32
        %convert_element_type3A_157 = arith.extui %ge3A_156 : i1 to i32
        %cond3A_158 = arith.constant 0 : i32
        %cond3A_159 = arith.cmpi ne, %convert_element_type3A_157, %cond3A_158 : i32
        scf.if %cond3A_159 {
          %sub3A = arith.constant 2 : i32
          %sub3A_168 = arith.subi %add3A_142, %sub3A : i32
          %dma_wait3A_169 = arith.constant 0 : i32
          %dma_wait3A_170 = tpu.memref_slice %arg7[%sub3A_168, %dma_wait3A_169] : memref<40x128xi32, #tpu.memory_space<vmem>> -> memref<1x128xi32, #tpu.memory_space<vmem>>
          %dma_wait3A_171 = tpu.memref_squeeze %dma_wait3A_170 : memref<1x128xi32, #tpu.memory_space<vmem>> -> memref<128xi32, #tpu.memory_space<vmem>>
          %dma_wait3A_172 = arith.constant 0 : i32
          %dma_wait3A_173 = arith.constant 0 : i32
          %dma_wait3A_174 = tpu.memref_slice %arg12[%dma_wait3A_172, %dma_wait3A_173] : memref<10240x64xf32, #tpu.memory_space<vmem_shared>> -> memref<10240x64xf32, #tpu.memory_space<vmem_shared>>
          tpu.wait_indirect_dma semaphore(%arg19 : memref<!tpu.dma_semaphore, #tpu.memory_space<semaphore_mem>>) src(%arg9 : memref<128x64xf32, #tpu.memory_space<vmem>>) dst(%dma_wait3A_174 : memref<10240x64xf32, #tpu.memory_space<vmem_shared>>)
        } else {
        }
        %add3A_160 = arith.constant 2 : i32
        %add3A_161 = arith.addi %add3A_142, %add3A_160 : i32
        %lt3A_162 = arith.constant 40 : i32
        %lt3A_163 = arith.cmpi slt, %add3A_161, %lt3A_162 : i32
        %convert_element_type3A_164 = arith.extui %lt3A_163 : i1 to i32
        %cond3A_165 = arith.constant 0 : i32
        %cond3A_166 = arith.cmpi ne, %convert_element_type3A_164, %cond3A_165 : i32
        scf.if %cond3A_166 {
          %add3A_168 = arith.constant 2 : i32
          %add3A_169 = arith.addi %add3A_142, %add3A_168 : i32
          %dma_start3A_170 = arith.constant 0 : i32
          %dma_start3A_171 = tpu.memref_slice %arg6[%add3A_169, %dma_start3A_170] : memref<40x128xi32, #tpu.memory_space<vmem>> -> memref<1x128xi32, #tpu.memory_space<vmem>>
          %dma_start3A_172 = tpu.memref_squeeze %dma_start3A_171 : memref<1x128xi32, #tpu.memory_space<vmem>> -> memref<128xi32, #tpu.memory_space<vmem>>
          %dma_start3A_173 = arith.constant 0 : i32
          %dma_start3A_174 = arith.constant 0 : i32
          %dma_start3A_175 = tpu.memref_slice %arg13[%dma_start3A_173, %dma_start3A_174] : memref<10000x64xf32, #tpu.memory_space<vmem_shared>> -> memref<10000x64xf32, #tpu.memory_space<vmem_shared>>
          tpu.enqueue_indirect_dma source(%dma_start3A_175 : memref<10000x64xf32, #tpu.memory_space<vmem_shared>>) target(%arg9 : memref<128x64xf32, #tpu.memory_space<vmem>>) offsets(%dma_start3A_172 : memref<128xi32, #tpu.memory_space<vmem>>) semaphore(%arg15 : memref<!tpu.dma_semaphore, #tpu.memory_space<semaphore_mem>>)
        } else {
        }
        %scan3A_167 = arith.constant 0 : i32
        scf.yield %scan3A_167 : i32
      }
      %scan3A_49 = arith.constant 10 : i32
      %dma_wait3A = arith.constant 38 : i32
      %dma_wait3A_50 = arith.constant 0 : i32
      %dma_wait3A_51 = tpu.memref_slice %arg7[%dma_wait3A, %dma_wait3A_50] : memref<40x128xi32, #tpu.memory_space<vmem>> -> memref<1x128xi32, #tpu.memory_space<vmem>>
      %dma_wait3A_52 = tpu.memref_squeeze %dma_wait3A_51 : memref<1x128xi32, #tpu.memory_space<vmem>> -> memref<128xi32, #tpu.memory_space<vmem>>
      %dma_wait3A_53 = arith.constant 0 : i32
      %dma_wait3A_54 = arith.constant 0 : i32
      %dma_wait3A_55 = tpu.memref_slice %arg12[%dma_wait3A_53, %dma_wait3A_54] : memref<10240x64xf32, #tpu.memory_space<vmem_shared>> -> memref<10240x64xf32, #tpu.memory_space<vmem_shared>>
      tpu.wait_indirect_dma semaphore(%arg20 : memref<!tpu.dma_semaphore, #tpu.memory_space<semaphore_mem>>) src(%arg10 : memref<128x64xf32, #tpu.memory_space<vmem>>) dst(%dma_wait3A_55 : memref<10240x64xf32, #tpu.memory_space<vmem_shared>>)
      %dma_wait3A_56 = arith.constant 39 : i32
      %dma_wait3A_57 = arith.constant 0 : i32
      %dma_wait3A_58 = tpu.memref_slice %arg7[%dma_wait3A_56, %dma_wait3A_57] : memref<40x128xi32, #tpu.memory_space<vmem>> -> memref<1x128xi32, #tpu.memory_space<vmem>>
      %dma_wait3A_59 = tpu.memref_squeeze %dma_wait3A_58 : memref<1x128xi32, #tpu.memory_space<vmem>> -> memref<128xi32, #tpu.memory_space<vmem>>
      %dma_wait3A_60 = arith.constant 0 : i32
      %dma_wait3A_61 = arith.constant 0 : i32
      %dma_wait3A_62 = tpu.memref_slice %arg12[%dma_wait3A_60, %dma_wait3A_61] : memref<10240x64xf32, #tpu.memory_space<vmem_shared>> -> memref<10240x64xf32, #tpu.memory_space<vmem_shared>>
      tpu.wait_indirect_dma semaphore(%arg21 : memref<!tpu.dma_semaphore, #tpu.memory_space<semaphore_mem>>) src(%arg11 : memref<128x64xf32, #tpu.memory_space<vmem>>) dst(%dma_wait3A_62 : memref<10240x64xf32, #tpu.memory_space<vmem_shared>>)
      %scan3A_63 = arith.constant 0 : i32
      scf.yield %scan3A_63 : i32
    }
    %scan3A_20 = arith.constant 4 : i32
    %barrier3A_21 = arith.constant 0 : index
    tpu.barrier barrier_id(%barrier3A_21)
    %mul3A_22 = arith.constant 640 : i32
    %mul3A_23 = arith.muli %arg1, %mul3A_22 : i32
    "tpu.region"() ({
      %run_scoped3A = tpu.sem_alloc : memref<!tpu.dma_semaphore, #tpu.memory_space<semaphore_mem>>
      %dma_start3A = arith.constant 0 : i32
      %dma_start3A_24 = arith.constant 0 : i32
      %dma_start3A_25 = tpu.memref_slice %arg5[%arg0, %dma_start3A, %dma_start3A_24] : memref<2x10240x64xf32, #tpu.memory_space<hbm>> -> memref<1x10240x64xf32, #tpu.memory_space<hbm>>
      %dma_start3A_26 = tpu.memref_squeeze %dma_start3A_25 : memref<1x10240x64xf32, #tpu.memory_space<hbm>> -> memref<10240x64xf32, #tpu.memory_space<hbm>>
      %dma_start3A_27 = arith.constant 0 : i32
      %dma_start3A_28 = tpu.memref_slice %dma_start3A_26[%mul3A_23, %dma_start3A_27] : memref<10240x64xf32, #tpu.memory_space<hbm>> -> memref<640x64xf32, #tpu.memory_space<hbm>>
      %dma_start3A_29 = arith.constant 0 : i32
      %dma_start3A_30 = tpu.memref_slice %arg12[%mul3A_23, %dma_start3A_29] : memref<10240x64xf32, #tpu.memory_space<vmem_shared>> -> memref<640x64xf32, #tpu.memory_space<vmem_shared>>
      tpu.enqueue_dma source(%dma_start3A_30 : memref<640x64xf32, #tpu.memory_space<vmem_shared>>) target(%dma_start3A_28 : memref<640x64xf32, #tpu.memory_space<hbm>>) target_semaphore(%run_scoped3A : memref<!tpu.dma_semaphore, #tpu.memory_space<semaphore_mem>>)
      %dma_wait3A = arith.constant 0 : i32
      %dma_wait3A_31 = arith.constant 0 : i32
      %dma_wait3A_32 = tpu.memref_slice %arg5[%arg0, %dma_wait3A, %dma_wait3A_31] : memref<2x10240x64xf32, #tpu.memory_space<hbm>> -> memref<1x10240x64xf32, #tpu.memory_space<hbm>>
      %dma_wait3A_33 = tpu.memref_squeeze %dma_wait3A_32 : memref<1x10240x64xf32, #tpu.memory_space<hbm>> -> memref<10240x64xf32, #tpu.memory_space<hbm>>
      %dma_wait3A_34 = arith.constant 0 : i32
      %dma_wait3A_35 = tpu.memref_slice %dma_wait3A_33[%mul3A_23, %dma_wait3A_34] : memref<10240x64xf32, #tpu.memory_space<hbm>> -> memref<640x64xf32, #tpu.memory_space<hbm>>
      %dma_wait3A_36 = arith.constant 0 : i32
      %dma_wait3A_37 = tpu.memref_slice %arg12[%mul3A_23, %dma_wait3A_36] : memref<10240x64xf32, #tpu.memory_space<vmem_shared>> -> memref<640x64xf32, #tpu.memory_space<vmem_shared>>
      tpu.wait_dma2 semaphore(%run_scoped3A : memref<!tpu.dma_semaphore, #tpu.memory_space<semaphore_mem>>) src(%dma_wait3A_37 : memref<640x64xf32, #tpu.memory_space<vmem_shared>>) dst(%dma_wait3A_35 : memref<640x64xf32, #tpu.memory_space<hbm>>)
      tpu.yield
    }) : () -> ()
    return
  }
}

module attributes {stable_mosaic.version = 14 : i64} {
  func.func @_tc_layer_body(%arg0: i32, %arg1: memref<2x2000x64xf32, #tpu.memory_space<vmem>>, %arg2: memref<2000x128xf32, #tpu.memory_space<vmem>>, %arg3: memref<64x128xf32, #tpu.memory_space<vmem>>, %arg4: memref<64x128xf32, #tpu.memory_space<vmem>>, %arg5: memref<128x128xf32, #tpu.memory_space<vmem>>, %arg6: memref<1x128xf32, #tpu.memory_space<vmem>>, %arg7: memref<2000x128xf32, #tpu.memory_space<vmem>>, %arg8: memref<2x2000x64xf32, #tpu.memory_space<vmem>>) attributes {dimension_semantics = [#tpu.dimension_semantics<arbitrary>], iteration_bounds = array<i64: 5>, scalar_prefetch = 0 : i64, scratch_operands = 0 : i64, tpu.core_type = #tpu.core_type<tc>, window_params = [{transform_indices = @transform_0, window_bounds = array<i64: 2, 2000, 64>}, {transform_indices = @transform_1, window_bounds = array<i64: 2000, 128>}, {pipeline_mode = #tpu.pipeline_mode<synchronous>, transform_indices = @transform_2, window_bounds = array<i64: 64, 128>}, {pipeline_mode = #tpu.pipeline_mode<synchronous>, transform_indices = @transform_3, window_bounds = array<i64: 64, 128>}, {pipeline_mode = #tpu.pipeline_mode<synchronous>, transform_indices = @transform_4, window_bounds = array<i64: 128, 128>}, {pipeline_mode = #tpu.pipeline_mode<synchronous>, transform_indices = @transform_5, window_bounds = array<i64: 1, 128>}, {transform_indices = @transform_6, window_bounds = array<i64: 2000, 128>}, {transform_indices = @transform_7, window_bounds = array<i64: 2, 2000, 64>}]} {
    %get3A = arith.constant 0 : index
    %get3A_0 = arith.constant 0 : index
    %get3A_1 = arith.constant 0 : index
    %get3A_2 = vector.load %arg1[%get3A, %get3A_0, %get3A_1] : memref<2x2000x64xf32, #tpu.memory_space<vmem>>, vector<1x2000x64xf32>
    %get3A_3 = vector.shape_cast %get3A_2 : vector<1x2000x64xf32> to vector<2000x64xf32>
    %get3A_4 = arith.constant 0 : index
    %get3A_5 = arith.constant 0 : index
    %get3A_6 = vector.load %arg3[%get3A_4, %get3A_5] : memref<64x128xf32, #tpu.memory_space<vmem>>, vector<64x128xf32>
    %dot_general3A = arith.constant dense<0.000000e+00> : vector<2000x128xf32>
    %dot_general3A_7 = tpu.matmul %get3A_3, %get3A_6, %dot_general3A {dimension_numbers = #tpu.dot_dimension_numbers<[1], [0], [0], [1], [0, 0, 1, 1], [], []>, transpose_lhs_hint = false} : vector<2000x64xf32>, vector<64x128xf32>, vector<2000x128xf32> -> vector<2000x128xf32>
    %get3A_8 = arith.constant 1 : index
    %get3A_9 = arith.constant 0 : index
    %get3A_10 = arith.constant 0 : index
    %get3A_11 = vector.load %arg1[%get3A_8, %get3A_9, %get3A_10] : memref<2x2000x64xf32, #tpu.memory_space<vmem>>, vector<1x2000x64xf32>
    %get3A_12 = vector.shape_cast %get3A_11 : vector<1x2000x64xf32> to vector<2000x64xf32>
    %get3A_13 = arith.constant 0 : index
    %get3A_14 = arith.constant 0 : index
    %get3A_15 = vector.load %arg4[%get3A_13, %get3A_14] : memref<64x128xf32, #tpu.memory_space<vmem>>, vector<64x128xf32>
    %dot_general3A_16 = arith.constant dense<0.000000e+00> : vector<2000x128xf32>
    %dot_general3A_17 = tpu.matmul %get3A_12, %get3A_15, %dot_general3A_16 {dimension_numbers = #tpu.dot_dimension_numbers<[1], [0], [0], [1], [0, 0, 1, 1], [], []>, transpose_lhs_hint = false} : vector<2000x64xf32>, vector<64x128xf32>, vector<2000x128xf32> -> vector<2000x128xf32>
    %add3A = arith.addf %dot_general3A_7, %dot_general3A_17 : vector<2000x128xf32>
    %get3A_18 = arith.constant 0 : index
    %get3A_19 = arith.constant 0 : index
    %get3A_20 = vector.load %arg2[%get3A_18, %get3A_19] : memref<2000x128xf32, #tpu.memory_space<vmem>>, vector<2000x128xf32>
    %get3A_21 = arith.constant 0 : index
    %get3A_22 = arith.constant 0 : index
    %get3A_23 = vector.load %arg5[%get3A_21, %get3A_22] : memref<128x128xf32, #tpu.memory_space<vmem>>, vector<128x128xf32>
    %dot_general3A_24 = arith.constant dense<0.000000e+00> : vector<2000x128xf32>
    %dot_general3A_25 = tpu.matmul %get3A_20, %get3A_23, %dot_general3A_24 {dimension_numbers = #tpu.dot_dimension_numbers<[1], [0], [0], [1], [0, 0, 1, 1], [], []>, transpose_lhs_hint = false} : vector<2000x128xf32>, vector<128x128xf32>, vector<2000x128xf32> -> vector<2000x128xf32>
    %add3A_26 = arith.addf %add3A, %dot_general3A_25 : vector<2000x128xf32>
    %get3A_27 = arith.constant 0 : index
    %get3A_28 = arith.constant 0 : index
    %get3A_29 = vector.load %arg6[%get3A_27, %get3A_28] : memref<1x128xf32, #tpu.memory_space<vmem>>, vector<1x128xf32>
    %add3A_30 = vector.broadcast %get3A_29 : vector<1x128xf32> to vector<2000x128xf32>
    %add3A_31 = arith.addf %add3A_26, %add3A_30 : vector<2000x128xf32>
    %max3A = arith.constant 0.000000e+00 : f32
    %max3A_32 = vector.broadcast %max3A : f32 to vector<2000x128xf32>
    %max3A_33 = arith.maximumf %add3A_31, %max3A_32 : vector<2000x128xf32>
    %swap3A = arith.constant 0 : index
    %swap3A_34 = arith.constant 0 : index
    %swap3A_35 = vector.load %arg7[%swap3A, %swap3A_34] : memref<2000x128xf32, #tpu.memory_space<vmem>>, vector<2000x128xf32>
    tpu.vector_store %arg7[%swap3A, %swap3A_34], %max3A_33 {strides = array<i32>} : memref<2000x128xf32, #tpu.memory_space<vmem>>, vector<2000x128xf32>,
    %slice3A = vector.extract_strided_slice %max3A_33 {offsets = [0, 0], sizes = [2000, 64], strides = [1, 1]} : vector<2000x128xf32> to vector<2000x64xf32>
    %swap3A_36 = arith.constant 0 : index
    %swap3A_37 = arith.constant 0 : index
    %swap3A_38 = arith.constant 0 : index
    %swap3A_39 = vector.load %arg8[%swap3A_36, %swap3A_37, %swap3A_38] : memref<2x2000x64xf32, #tpu.memory_space<vmem>>, vector<1x2000x64xf32>
    %swap3A_40 = vector.shape_cast %swap3A_39 : vector<1x2000x64xf32> to vector<2000x64xf32>
    %swap3A_41 = vector.shape_cast %slice3A : vector<2000x64xf32> to vector<1x2000x64xf32>
    tpu.vector_store %arg8[%swap3A_36, %swap3A_37, %swap3A_38], %swap3A_41 {strides = array<i32>} : memref<2x2000x64xf32, #tpu.memory_space<vmem>>, vector<1x2000x64xf32>,
    %slice3A_42 = vector.extract_strided_slice %max3A_33 {offsets = [0, 64], sizes = [2000, 64], strides = [1, 1]} : vector<2000x128xf32> to vector<2000x64xf32>
    %swap3A_43 = arith.constant 1 : index
    %swap3A_44 = arith.constant 0 : index
    %swap3A_45 = arith.constant 0 : index
    %swap3A_46 = vector.load %arg8[%swap3A_43, %swap3A_44, %swap3A_45] : memref<2x2000x64xf32, #tpu.memory_space<vmem>>, vector<1x2000x64xf32>
    %swap3A_47 = vector.shape_cast %swap3A_46 : vector<1x2000x64xf32> to vector<2000x64xf32>
    %swap3A_48 = vector.shape_cast %slice3A_42 : vector<2000x64xf32> to vector<1x2000x64xf32>
    tpu.vector_store %arg8[%swap3A_43, %swap3A_44, %swap3A_45], %swap3A_48 {strides = array<i32>} : memref<2x2000x64xf32, #tpu.memory_space<vmem>>, vector<1x2000x64xf32>,
    return
  }
  func.func @transform_0(%arg0: i32) -> (i32, i32, i32) {
    %c0_i32 = arith.constant 0 : i32
    %c0_i32_0 = arith.constant 0 : i32
    %c0_i32_1 = arith.constant 0 : i32
    return %c0_i32, %arg0, %c0_i32_0 : i32, i32, i32
  }
  func.func @transform_1(%arg0: i32) -> (i32, i32) {
    %c0_i32 = arith.constant 0 : i32
    %c0_i32_0 = arith.constant 0 : i32
    return %arg0, %c0_i32 : i32, i32
  }
  func.func @transform_2(%arg0: i32) -> (i32, i32) {
    %c0_i32 = arith.constant 0 : i32
    %c0_i32_0 = arith.constant 0 : i32
    %c0_i32_1 = arith.constant 0 : i32
    return %c0_i32, %c0_i32_0 : i32, i32
  }
  func.func @transform_3(%arg0: i32) -> (i32, i32) {
    %c0_i32 = arith.constant 0 : i32
    %c0_i32_0 = arith.constant 0 : i32
    %c0_i32_1 = arith.constant 0 : i32
    return %c0_i32, %c0_i32_0 : i32, i32
  }
  func.func @transform_4(%arg0: i32) -> (i32, i32) {
    %c0_i32 = arith.constant 0 : i32
    %c0_i32_0 = arith.constant 0 : i32
    %c0_i32_1 = arith.constant 0 : i32
    return %c0_i32, %c0_i32_0 : i32, i32
  }
  func.func @transform_5(%arg0: i32) -> (i32, i32) {
    %c0_i32 = arith.constant 0 : i32
    %c0_i32_0 = arith.constant 0 : i32
    %c0_i32_1 = arith.constant 0 : i32
    return %c0_i32, %c0_i32_0 : i32, i32
  }
  func.func @transform_6(%arg0: i32) -> (i32, i32) {
    %c0_i32 = arith.constant 0 : i32
    %c0_i32_0 = arith.constant 0 : i32
    return %arg0, %c0_i32 : i32, i32
  }
  func.func @transform_7(%arg0: i32) -> (i32, i32, i32) {
    %c0_i32 = arith.constant 0 : i32
    %c0_i32_0 = arith.constant 0 : i32
    %c0_i32_1 = arith.constant 0 : i32
    return %c0_i32, %arg0, %c0_i32_0 : i32, i32, i32
  }
}

module attributes {stable_mosaic.version = 14 : i64} {
  func.func @_tc_layer_body(%arg0: i32, %arg1: memref<2x2000x64xf32, #tpu.memory_space<vmem>>, %arg2: memref<2000x128xf32, #tpu.memory_space<vmem>>, %arg3: memref<64x128xf32, #tpu.memory_space<vmem>>, %arg4: memref<64x128xf32, #tpu.memory_space<vmem>>, %arg5: memref<128x128xf32, #tpu.memory_space<vmem>>, %arg6: memref<1x128xf32, #tpu.memory_space<vmem>>, %arg7: memref<2000x128xf32, #tpu.memory_space<vmem>>) attributes {dimension_semantics = [#tpu.dimension_semantics<arbitrary>], iteration_bounds = array<i64: 5>, scalar_prefetch = 0 : i64, scratch_operands = 0 : i64, tpu.core_type = #tpu.core_type<tc>, window_params = [{transform_indices = @transform_0, window_bounds = array<i64: 2, 2000, 64>}, {transform_indices = @transform_1, window_bounds = array<i64: 2000, 128>}, {pipeline_mode = #tpu.pipeline_mode<synchronous>, transform_indices = @transform_2, window_bounds = array<i64: 64, 128>}, {pipeline_mode = #tpu.pipeline_mode<synchronous>, transform_indices = @transform_3, window_bounds = array<i64: 64, 128>}, {pipeline_mode = #tpu.pipeline_mode<synchronous>, transform_indices = @transform_4, window_bounds = array<i64: 128, 128>}, {pipeline_mode = #tpu.pipeline_mode<synchronous>, transform_indices = @transform_5, window_bounds = array<i64: 1, 128>}, {transform_indices = @transform_6, window_bounds = array<i64: 2000, 128>}]} {
    %get3A = arith.constant 0 : index
    %get3A_0 = arith.constant 0 : index
    %get3A_1 = arith.constant 0 : index
    %get3A_2 = vector.load %arg1[%get3A, %get3A_0, %get3A_1] : memref<2x2000x64xf32, #tpu.memory_space<vmem>>, vector<1x2000x64xf32>
    %get3A_3 = vector.shape_cast %get3A_2 : vector<1x2000x64xf32> to vector<2000x64xf32>
    %get3A_4 = arith.constant 0 : index
    %get3A_5 = arith.constant 0 : index
    %get3A_6 = vector.load %arg3[%get3A_4, %get3A_5] : memref<64x128xf32, #tpu.memory_space<vmem>>, vector<64x128xf32>
    %dot_general3A = arith.constant dense<0.000000e+00> : vector<2000x128xf32>
    %dot_general3A_7 = tpu.matmul %get3A_3, %get3A_6, %dot_general3A {dimension_numbers = #tpu.dot_dimension_numbers<[1], [0], [0], [1], [0, 0, 1, 1], [], []>, transpose_lhs_hint = false} : vector<2000x64xf32>, vector<64x128xf32>, vector<2000x128xf32> -> vector<2000x128xf32>
    %get3A_8 = arith.constant 1 : index
    %get3A_9 = arith.constant 0 : index
    %get3A_10 = arith.constant 0 : index
    %get3A_11 = vector.load %arg1[%get3A_8, %get3A_9, %get3A_10] : memref<2x2000x64xf32, #tpu.memory_space<vmem>>, vector<1x2000x64xf32>
    %get3A_12 = vector.shape_cast %get3A_11 : vector<1x2000x64xf32> to vector<2000x64xf32>
    %get3A_13 = arith.constant 0 : index
    %get3A_14 = arith.constant 0 : index
    %get3A_15 = vector.load %arg4[%get3A_13, %get3A_14] : memref<64x128xf32, #tpu.memory_space<vmem>>, vector<64x128xf32>
    %dot_general3A_16 = arith.constant dense<0.000000e+00> : vector<2000x128xf32>
    %dot_general3A_17 = tpu.matmul %get3A_12, %get3A_15, %dot_general3A_16 {dimension_numbers = #tpu.dot_dimension_numbers<[1], [0], [0], [1], [0, 0, 1, 1], [], []>, transpose_lhs_hint = false} : vector<2000x64xf32>, vector<64x128xf32>, vector<2000x128xf32> -> vector<2000x128xf32>
    %add3A = arith.addf %dot_general3A_7, %dot_general3A_17 : vector<2000x128xf32>
    %get3A_18 = arith.constant 0 : index
    %get3A_19 = arith.constant 0 : index
    %get3A_20 = vector.load %arg2[%get3A_18, %get3A_19] : memref<2000x128xf32, #tpu.memory_space<vmem>>, vector<2000x128xf32>
    %get3A_21 = arith.constant 0 : index
    %get3A_22 = arith.constant 0 : index
    %get3A_23 = vector.load %arg5[%get3A_21, %get3A_22] : memref<128x128xf32, #tpu.memory_space<vmem>>, vector<128x128xf32>
    %dot_general3A_24 = arith.constant dense<0.000000e+00> : vector<2000x128xf32>
    %dot_general3A_25 = tpu.matmul %get3A_20, %get3A_23, %dot_general3A_24 {dimension_numbers = #tpu.dot_dimension_numbers<[1], [0], [0], [1], [0, 0, 1, 1], [], []>, transpose_lhs_hint = false} : vector<2000x128xf32>, vector<128x128xf32>, vector<2000x128xf32> -> vector<2000x128xf32>
    %add3A_26 = arith.addf %add3A, %dot_general3A_25 : vector<2000x128xf32>
    %get3A_27 = arith.constant 0 : index
    %get3A_28 = arith.constant 0 : index
    %get3A_29 = vector.load %arg6[%get3A_27, %get3A_28] : memref<1x128xf32, #tpu.memory_space<vmem>>, vector<1x128xf32>
    %add3A_30 = vector.broadcast %get3A_29 : vector<1x128xf32> to vector<2000x128xf32>
    %add3A_31 = arith.addf %add3A_26, %add3A_30 : vector<2000x128xf32>
    %max3A = arith.constant 0.000000e+00 : f32
    %max3A_32 = vector.broadcast %max3A : f32 to vector<2000x128xf32>
    %max3A_33 = arith.maximumf %add3A_31, %max3A_32 : vector<2000x128xf32>
    %swap3A = arith.constant 0 : index
    %swap3A_34 = arith.constant 0 : index
    %swap3A_35 = vector.load %arg7[%swap3A, %swap3A_34] : memref<2000x128xf32, #tpu.memory_space<vmem>>, vector<2000x128xf32>
    tpu.vector_store %arg7[%swap3A, %swap3A_34], %max3A_33 {strides = array<i32>} : memref<2000x128xf32, #tpu.memory_space<vmem>>, vector<2000x128xf32>,
    return
  }
  func.func @transform_0(%arg0: i32) -> (i32, i32, i32) {
    %c0_i32 = arith.constant 0 : i32
    %c0_i32_0 = arith.constant 0 : i32
    %c0_i32_1 = arith.constant 0 : i32
    return %c0_i32, %arg0, %c0_i32_0 : i32, i32, i32
  }
  func.func @transform_1(%arg0: i32) -> (i32, i32) {
    %c0_i32 = arith.constant 0 : i32
    %c0_i32_0 = arith.constant 0 : i32
    return %arg0, %c0_i32 : i32, i32
  }
  func.func @transform_2(%arg0: i32) -> (i32, i32) {
    %c0_i32 = arith.constant 0 : i32
    %c0_i32_0 = arith.constant 0 : i32
    %c0_i32_1 = arith.constant 0 : i32
    return %c0_i32, %c0_i32_0 : i32, i32
  }
  func.func @transform_3(%arg0: i32) -> (i32, i32) {
    %c0_i32 = arith.constant 0 : i32
    %c0_i32_0 = arith.constant 0 : i32
    %c0_i32_1 = arith.constant 0 : i32
    return %c0_i32, %c0_i32_0 : i32, i32
  }
  func.func @transform_4(%arg0: i32) -> (i32, i32) {
    %c0_i32 = arith.constant 0 : i32
    %c0_i32_0 = arith.constant 0 : i32
    %c0_i32_1 = arith.constant 0 : i32
    return %c0_i32, %c0_i32_0 : i32, i32
  }
  func.func @transform_5(%arg0: i32) -> (i32, i32) {
    %c0_i32 = arith.constant 0 : i32
    %c0_i32_0 = arith.constant 0 : i32
    %c0_i32_1 = arith.constant 0 : i32
    return %c0_i32, %c0_i32_0 : i32, i32
  }
  func.func @transform_6(%arg0: i32) -> (i32, i32) {
    %c0_i32 = arith.constant 0 : i32
    %c0_i32_0 = arith.constant 0 : i32
    return %arg0, %c0_i32 : i32, i32
  }
}

</mosaic_0001>

<sc_bundles>
// kernel: kernel.6.cloned.1.call-start
scs
__scs_entry_jumppad:
0x0: {  	(pc) =	sbr.rel $0x88, $3  }
0x1: {  	(tag) =	ssettag $0x0;
	lr =	simm.s32 $0x1  }
0x2: {  	[smem:$0x3F99] =	sst lr;
	_ =	strace $0xD0000000  }
0x3: {  	_ = 	snop  }
0x4: {  	_ = 	snop  }
0x5: {  	_ = 	snop  }
0x6: {  	_ = 	snop  }
0x7: {  	_ = 	snop  }
__scs_overlays_trampoline_lowered:
0x8: {  	[smem:$0x3FA8] =	sst s0  }
0x9: {  	[smem:$0x3FA9] =	sst s1  }
0xa: {  	[smem:$0x3FAA] =	sst s2  }
0xb: {  	[smem:$0x3FAB] =	sst s3  }
0xc: {  	[smem:$0x3FAC] =	sst s4  }
0xd: {  	[smem:$0x3FAD] =	sst s5  }
0xe: {  	[smem:$0x3FAE] =	sst s6  }
0xf: {  	[smem:$0x3FAF] =	sst s7  }
0x10: {  	[smem:$0x3FB0] =	sst s8  }
0x11: {  	[smem:$0x3FB1] =	sst s9;
	s0 =	simm.s32 @!p0 $0x0  }
0x12: {  	s1 =	sld [smem:$0x3F97];
	s0 =	simm.s32 @p0 $0x1  }
0x13: {  	[smem:$0x3FB2] =	sst s0;
	s0 =	simm.s32 @!p1 $0x0  }
0x14: {  	s2 =	sld [smem:$0x3F96];
	s0 =	simm.s32 @p1 $0x1  }
0x15: {  	[smem:$0x3FB3] =	sst s0;
	s0 =	simm.s32 @!p2 $0x0  }
0x16: {  	s3 =	sld [smem:$0x3FDB];
	s0 =	simm.s32 @p2 $0x1  }
0x17: {  	s4 =	simm.s32 $0x1BF5;
	[smem:$0x3FB5] =	sst s0  }
0x18: {  	s0 =	sld [smem:$0x3F98];
	_ =	swait.ge [sflag:s4], $0x0  }
0x19: {  	s7 =	sld [smem:$0x3F99]  }
0x1a: {  	s8 =	sadd.s32 $0xFFFFE003, lr  }
0x1b: {  	s9 =	sadd.s32 $0xFFFFFEF7, lr;
	s5 =	simm.s32 $0xFFFFFFFF;
	p2 =	slt.u32 s8, $0xFFFFF086  }
0x1c: {  	p1 =	slt.u32 s9, $0xF7A;
	s5 =	simm.s32 @!p2 $0x0  }
0x1d: {  	s5 =	simm.s32 @p1 $0x1;
	p0 =	seq.s32 s7, s2  }
0x1e: {  	s7 =	smul.u32 @!p0 $0xF7A, s2;
	p2 =	seq.s32 @!p0 s5, $0x0  }
0x1f: {  	s9 =	smul.u32 $0xF7A, s1;
	s8 =	simm.s32 @!p0 $0x1BF5;
	p2 =	por !p2, p0  }
0x20: {  	[sflag:s8] =	ssyncset.s32 @!p0 $0xFFFFF086;
	s6 =	sadd.s32 @!p0 s3, s7;
	s7 =	simm.s32 @!p0 $0x108  }
0x21: {  	s3 =	sadd.s32 s3, s9;
	s6 =	sadd.s32 @!p0 $0x88, s6;
	s7 =	simm.s32 @p2 $0x1082  }
0x22: {  	[simem:s7], [sflag:s8] =	dma.local @!p0 [hbm:s6], $0xF7A  }
0x23: {  	s9 =	sor.u32 $0xD0000000, s2;
	s6 =	simm.s32 $0x108;
	_ =	swait.ge @!p0 [sflag:s8], $0x0  }
0x24: {  	s3 =	sadd.s32 $0x88, s3;
	s6 =	simm.s32 @!p1 $0x1082;
	[sflag:s4] =	ssyncset.s32 $0xFFFFF086  }
0x25: {  	[simem:s6], [sflag:s4] =	dma.local [hbm:s3], $0xF7A  }
0x26: {  	[smem:$0x3F99] =	sst s1;
	(tag) =	ssettag s2;
	_ =	strace s9  }
0x27: {  	s1 =	sld [smem:$0x3FA9]  }
0x28: {  	s2 =	sld [smem:$0x3FAA]  }
0x29: {  	s4 =	sld [smem:$0x3FAC]  }
0x2a: {  	p0 =	seq.s32 s5, $0x0;
	s5 =	sld [smem:$0x3FAD]  }
0x2b: {  	s6 =	sld [smem:$0x3FAE]  }
0x2c: {  	s7 =	sld [smem:$0x3FAF]  }
0x2d: {  	s3 =	simm.s32 $0x108;
	s8 =	sld [smem:$0x3FB0]  }
0x2e: {  	s3 =	simm.s32 @!p0 $0x1082;
	s9 =	sld [smem:$0x3FB1]  }
0x2f: {  	lr =	sadd.s32 s0, s3;
	s0 =	sld [smem:$0x3FA8]  }
0x30: {  	s3 =	sld [smem:$0x3FAB]  }
0x31: {  	[smem:$0x3FB4] =	sst s10  }
0x32: {  	s10 =	sld [smem:$0x3FB2];
	_ =	sdelay $0x3  }
0x33: {  	p0 =	seq.s32 s10, $0x1;
	s10 =	sld [smem:$0x3FB4];
	_ =	sdelay $0x3  }
0x34: {  	[smem:$0x3FB4] =	sst s10  }
0x35: {  	s10 =	sld [smem:$0x3FB3];
	_ =	sdelay $0x3  }
0x36: {  	p1 =	seq.s32 s10, $0x1;
	s10 =	sld [smem:$0x3FB4];
	_ =	sdelay $0x3  }
0x37: {  	[smem:$0x3FB4] =	sst s10  }
0x38: {  	s10 =	sld [smem:$0x3FB5]  }
0x39: {  	_ = 	snop;
	(pc) =	sbr.ind lr, $3  }
0x3a: {  	_ = 	snop  }
0x3b: {  	_ = 	snop  }
0x3c: {  	p2 =	seq.s32 s10, $0x1;
	s10 =	sld [smem:$0x3FB4]  }
0x3d: {  	_ =	shalt  }
0x3e: {  	_ =	shalt  }
0x3f: {  	_ =	shalt  }
0x40: {  	_ =	shalt  }
0x41: {  	_ =	shalt  }
0x42: {  	_ =	shalt  }
0x43: {  	_ =	shalt  }
0x44: {  	_ =	shalt  }
0x45: {  	_ =	shalt  }
0x46: {  	_ =	shalt  }
0x47: {  	_ =	shalt  }
0x48: {  	_ =	shalt  }
0x49: {  	_ =	shalt  }
0x4a: {  	_ =	shalt  }
0x4b: {  	_ =	shalt  }
0x4c: {  	_ =	shalt  }
0x4d: {  	_ =	shalt  }
0x4e: {  	_ =	shalt  }
0x4f: {  	_ =	shalt  }
0x50: {  	_ =	shalt  }
0x51: {  	_ =	shalt  }
0x52: {  	_ =	shalt  }
0x53: {  	_ =	shalt  }
0x54: {  	_ =	shalt  }
0x55: {  	_ =	shalt  }
0x56: {  	_ =	shalt  }
0x57: {  	_ =	shalt  }
0x58: {  	_ =	shalt  }
0x59: {  	_ =	shalt  }
0x5a: {  	_ =	shalt  }
0x5b: {  	_ =	shalt  }
0x5c: {  	_ =	shalt  }
0x5d: {  	_ =	shalt  }
0x5e: {  	_ =	shalt  }
0x5f: {  	_ =	shalt  }
0x60: {  	_ =	shalt  }
0x61: {  	_ =	shalt  }
0x62: {  	_ =	shalt  }
0x63: {  	_ =	shalt  }
0x64: {  	_ =	shalt  }
0x65: {  	_ =	shalt  }
0x66: {  	_ =	shalt  }
0x67: {  	_ =	shalt  }
0x68: {  	_ =	shalt  }
0x69: {  	_ =	shalt  }
0x6a: {  	_ =	shalt  }
0x6b: {  	_ =	shalt  }
0x6c: {  	_ =	shalt  }
0x6d: {  	_ =	shalt  }
0x6e: {  	_ =	shalt  }
0x6f: {  	_ =	shalt  }
0x70: {  	_ =	shalt  }
0x71: {  	_ =	shalt  }
0x72: {  	_ =	shalt  }
0x73: {  	_ =	shalt  }
0x74: {  	_ =	shalt  }
0x75: {  	_ =	shalt  }
0x76: {  	_ =	shalt  }
0x77: {  	_ =	shalt  }
0x78: {  	_ =	shalt  }
0x79: {  	_ =	shalt  }
0x7a: {  	_ =	shalt  }
0x7b: {  	_ =	shalt  }
0x7c: {  	_ =	shalt  }
0x7d: {  	_ =	shalt  }
0x7e: {  	_ =	shalt  }
0x7f: {  	_ =	shalt  }
0x80: {  	_ =	shalt  }
0x81: {  	_ =	shalt  }
0x82: {  	_ =	shalt  }
0x83: {  	_ =	shalt  }
0x84: {  	_ =	shalt  }
0x85: {  	_ =	shalt  }
0x86: {  	_ =	shalt  }
0x87: {  	_ =	shalt  }
.Lfunc_end0:
.L_simem_size_0:
called_computation_lowered:
.L_overlay_start_0:
0x88: {  	s2 =	sld [smem:$0x3FD9]  }
0x89: {  	s3 =	sld [smem:$0x3FFE];
	_ =	sdelay $0x1  }
0x8a: {  	s1 =	srdreg.scid  }
0x8b: {  	s0 =	sand.u32 $0x1, s1  }
0x8c: {  	s17 =	sshll.u32 s0, $0xA;
	s2 =	sadd.s32 s3, s2  }
0x8d: {  	s2 =	sadd.s32 s2, s17  }
0x8e: {  	[smem:$0x3FC0] =	sst s2  }
0x8f: {  	_ = 	snop  }
0x90: {  	s2 =	sld [smem:$0x3FD0];
	(tm) =	ssettm $0x1  }
0x91: {  	s18 =	sld [smem:$0x3FFB];
	_ =	sdelay $0x3  }
0x92: {  	_ =	strace s18  }
0x93: {  	s3 =	sld [smem:$0x3FFC];
	_ =	sdelay $0x3  }
0x94: {  	_ =	strace s3  }
0x95: {  	s3 =	sld [smem:$0x3FFD];
	_ =	sdelay $0x3  }
0x96: {  	_ =	strace s3  }
0x97: {  	_ =	strace $0x8FFFFFFF  }
0x98: {  	s19 =	sld [smem:$0x3FDB];
	_ =	sdelay $0x1  }
0x99: {  	s4 =	simm.s32 $_scs_section_size  }
0x9a: {  	s5 =	simm.s32 $_size__tile_overlayer_lowered;
	s6 =	simm.s32 $_tile_overlayer_lowered  }
0x9b: {  	s22 =	simm.s32 $0x1BFF;
	s21 =	sshll.u32 s6, $0x1;
	s3 =	sadd.s32 s4, s19  }
0x9c: {  	s7 =	simm.s32 $0x0;
	s20 =	sshll.u32 s5, $0x1;
	s5 =	sadd.s32 s21, s3  }
0x9d: {  	[timem:s7], [sflag:s22] =	dma.local [hbm:s5], s20  }
0x9e: {  	_ =	swait.ge [sflag:s22], s20  }
0x9f: {  	s4 =	ssub.s32 $0x0, s20;
	[sflag:s22] =	ssyncset.done $0x0  }
0xa0: {  	[sflag:s22] =	ssyncadd.s32 s4;
	_ =	sdelay $0x1  }
0xa1: {  	s23 =	simm.s32 $0x1B8B  }
0xa2: {  	_ =	swait.ge [sflag:s23], $0x1  }
0xa3: {  	[sflag:s23] =	ssyncset.done $0x0  }
0xa4: {  	s25 =	simm.s32 $0x1B8E;
	s24 =	sld [smem:$0x3FFE];
	[sflag:s23] =	ssyncadd.s32 $0xFFFFFFFF  }
0xa5: {  	s26 =	simm.s32 $execute0_lowered;
	[smem:$0x3FD2] =	sst s25  }
0xa6: {  	s5 =	sshll.u32 s26, $0x1;
	_ =	strace $0x80000046;
	[dreg:$0x1] =	wrdreg $0xFFFFFFFF  }
0xa7: {  	s28 =	simm.s32 $_size_execute0_lowered;
	s3 =	sadd.s32 s3, s5;
	[dreg:$0x0] =	wrdreg $0x0  }
0xa8: {  	s5 =	sshll.u32 s28, $0x1;
	[dreg:$0x2] =	wrdreg s3  }
0xa9: {  	[dreg:$0x3] =	wrdreg s5  }
0xaa: {  	[dreg:$0x4] =	wrdreg $0xC0  }
0xab: {  	_ =	task [dreg:s7], $0x5FFFF  }
0xac: {  	[dreg:$0x1] =	wrdreg $0xFFFFFFFF  }
0xad: {  	[dreg:$0x0] =	wrdreg $0x60  }
0xae: {  	[dreg:$0x2] =	wrdreg s24  }
0xaf: {  	[dreg:$0x3] =	wrdreg s2  }
0xb0: {  	[dreg:$0x4] =	wrdreg $0x148000  }
0xb1: {  	[dreg:$0x5] =	wrdreg $0xA8000  }
0xb2: {  	[dreg:$0x6] =	wrdreg $0x9  }
0xb3: {  	_ =	task.clear_ibuf [dreg:s7], $0x7FFFF;
	_ =	strace $0x90000046  }
0xb4: {  	s29 =	simm.s32 $0x9;
	_ =	strace $0x80000048  }
0xb5: {  	_ =	swait.ge [sflag:s29], $0x1  }
0xb6: {  	[sflag:s29] =	ssyncadd.s32 $0xFFFFFFFF  }
0xb7: {  	_ =	strace $0x90000048  }
0xb8: {  	_ =	sfence  }
0xb9: {  	s30 =	sld [smem:$0x0];
	_ =	sdelay $0x2  }
0xba: {  	s31 =	sshll.u32 s1, $0xD;
	s1 =	sshrl.u32 s1, $0x2  }
0xbb: {  	s3 =	sand.u32 $0x4000, s31;
	s1 =	sadd.s32 s1, s30  }
0xbc: {  	s0 =	sor.u32 s3, s0;
	s1 =	sshll.u32 s1, $0x11  }
0xbd: {  	s0 =	sor.u32 s1, s0  }
0xbe: {  	s0 =	sadd.s32 $0x8F2B, s0  }
0xbf: {  	[sflag:s0] =	ssyncadd.remote.s32 $0x1  }
0xc0: {  	_ =	sfence.sel $0xFFFF  }
0xc1: {  	[dreg:$0x0] =	wrdreg $0xFFFFFFFF;
	(pc) =	sbr.abs _section_cstart, $3  }
0xc2: {  	[dreg:$0x1] =	wrdreg $0xFFFFFFFF  }
0xc3: {  	_ =	task.clear_ibuf [dreg:s7], $0x2FFFF;
	_ =	strace $0x9FFFFFFF  }
0xc4: {  	(tm) =	ssettm $0x7FFFFFFF  }
0xc5: {  	_ =	shalt  }
tec
execute0_lowered:
.L_overlay_start_1:
0x0: {  	(tag) =	ssettag $0x1  }
0x1: {  	s0 =	rddreg [dreg:$0x0]  }
0x2: {  	s1 =	rddreg [dreg:$0x1]  }
0x3: {  	s2 =	rddreg [dreg:$0x2]  }
0x4: {  	s3 =	rddreg [dreg:$0x3]  }
0x5: {  	s11 =	stileid.u32;
	s4 =	srdreg.scid;
	s6 =	simm.s32 $0x0  }
0x6: {  	s16 =	simm.s32 $0x9;
	s17 =	simm.s32 $0x2800;
	s18 =	simm.s32 $0x1400  }
0x7: {  	s19 =	simm.s32 $0x80;
	s28 =	simm.s32 $0x1480;
	s5 =	smul.u32 $0xA00, s11  }
0x8: {  	s29 =	simm.s32 $0x180;
	s30 =	simm.s32 $0x8800;
	s8 =	smul.u32 $0x9C40, s11  }
0x9: {  	s31 =	simm.s32 $0x3;
	s4 =	sand.u32 $0x1, s4;
	s26 =	smul.u32 $0x28000, s11  }
0xa: {  	[smem:$0x7FF] =	sst s6;
	s12 =	sshll.u32 s11, $0x6;
	s14 =	smul.u32 $0xA000, s11  }
0xb: {  	s11 =	simm.s32 $0x6;
	s24 =	smul.u32 $0x14000, s4;
	_ =	strace $0x80000047  }
0xc: {  	s7 =	ssub.s32 $0x2, s4;
	s4 =	smul.u32 $0x13880, s4;
	s5 =	sadd.s32 s5, s0  }
0xd: {  	s9 =	sshrl.u32 s7, $0x1;
	s10 =	sadd.s32 s8, s2;
	s13 =	sshrl.u32 s26, $0x2  }
0xe: {  	s15 =	sshrl.u32 s14, $0x3;
	s0 =	sadd.s32 s24, s0;
	s25 =	ssub.s32 s7, s9  }
0xf: {  	s1 =	sadd.s32 s1, s4;
	s7 =	sor.u32 $0x1C09, s12;
	s12 =	sadd.s32 s13, s3  }
0x10: {  	s9 =	sshrl.u32 s8, $0x3;
	s8 =	sadd.s32 $0xB400, s5;
	[dreg:$0x7] =	wrdreg s12  }
0x11: {  	s4 =	simm.s32 $0x200;
	s1 =	sadd.s32 s9, s1;
	[dreg:$0x6] =	wrdreg s7  }
0x12: {  	s13 =	simm.s32 $0x7;
	s20 =	smax.u32 s25, $0x1;
	[dreg:$0x5] =	wrdreg s1  }
0x13: {  	s9 =	sadd.s32 $0x1400, s5;
	s21 =	sadd.s32 $0x2000, s12;
	[dreg:$0x8] =	wrdreg s20  }
0x14: {  	s0 =	sadd.s32 $0x15400, s0;
	s22 =	sadd.s32 $0x4000, s12;
	[dreg:$0x9] =	wrdreg s21  }
0x15: {  	s23 =	sadd.s32 $0x6000, s12;
	s24 =	sadd.s32 $0x8000, s12;
	[dreg:$0xa] =	wrdreg s22  }
0x16: {  	s25 =	sshrl.u32 s10, $0x3;
	s5 =	simm.s32 $0x4;
	[dreg:$0xb] =	wrdreg s23  }
0x17: {  	s10 =	simm.s32 $0x1580;
	s12 =	simm.s32 $0x280;
	[dreg:$0xc] =	wrdreg s24  }
.Ltmp0:
0x18: {  	s1 =	sadd.s32 s14, s3;
	[dreg:$0xd] =	wrdreg s25;
	(pc) =	sbr.rel .LBB2_1-.Ltmp0, $4  }
0x19: {  	s20 =	simm.s32 $0x4800;
	s21 =	simm.s32 $0x1;
	s0 =	sadd.s32 s15, s0  }
0x1a: {  	s24 =	simm.s32 $0x6800;
	s14 =	simm.s32 $0x8;
	s15 =	simm.s32 $0x0  }
0x1b: {  	[dreg:$0xe] =	wrdreg s0;
	s26 =	sshrl.u32 s1, $0x3;
	s0 =	simm.s32 $0x1500  }
0x1c: {  	v0 =	vimm.f32 $0.0e+00;
	s1 =	simm.s32 $0x5;
	[dreg:$0xf] =	wrdreg s26;
	s26 =	simm.s32 $0x2  }
.LBB2_8:
0x1d: {  	[bflag:$0x0] =	sbarrier.arrive $0xFFFF  }
0x1e: {  	s7 =	rddreg [dreg:$0x6]  }
0x1f: {  	s6 =	rddreg [dreg:$0xe]  }
0x20: {  	s15 =	rddreg [dreg:$0xf]  }
0x21: {  	[hbm:s6], [sflag:s7] =	dma.local [spmem:s15], $0x1400  }
0x22: {  	_ =	swait.ge [sflag:s16], $0x1400  }
0x23: {  	s23 =	rddreg [dreg:$0x10]  }
0x24: {  	s25 =	rddreg [dreg:$0x8];
	s15 =	sadd.s32 $0x1, s23  }
0x25: {  	p0 =	sne.s32 s15, s25  }
.Ltmp1:
0x26: {  	_ = 	snop;
	(pc) =	sbr.rel @!p0 .LBB2_9-.Ltmp1, $3  }
0x27: {  	_ =	sdelay $0x1  }
0x28: {  	[sflag:s16] =	ssyncset.done $0x0  }
0x29: {  	[sflag:s16] =	ssyncadd.s32 $0xFFFFEC00  }
.LBB2_1:
0x2a: {  	[dreg:$0x10] =	wrdreg s15  }
0x2b: {  	s6 =	rddreg [dreg:$0x5]  }
0x2c: {  	s25 =	rddreg [dreg:$0xd];
	s22 =	simm.s32 $0x0  }
0x2d: {  	[spmem:s25], [sflag:s7] =	dma.local [hbm:s6], $0x1388  }
0x2e: {  	s23 =	sand.u32 $0x7F00, s22;
	s7 =	sand.u32 $0x30, s22;
	_ =	swait.ge [sflag:s16], $0x1388  }
0x2f: {  	s6 =	simm.s32 $0x40;
	s25 =	sshrl.u32 s23, $0x2;
	[sflag:s16] =	ssyncset.done $0x0  }
0x30: {  	s15 =	sor.u32 s7, s25;
	s7 =	simm.s32 $0x0;
	[sflag:s16] =	ssyncadd.s32 $0xFFFFEC78  }
.LBB2_2:
0x31: {  	p0 =	sne.s32 s6, $0x7FC0  }
0x32: {  	[tilespmem:s15+$0x2800] =	vst v0;
	s7 =	sadd.s32 $0x10, s7;
	s15 =	smov.u32 s6;
	s6 =	sadd.s32 $0x40, s6  }
.Ltmp2:
0x33: {  	(pc) =	sbr.rel @p0 .LBB2_2-.Ltmp2, $4  }
0x34: {  	_ = 	snop  }
0x35: {  	s15 =	sand.u32 $0x7F00, s15  }
0x36: {  	s23 =	sand.u32 $0x30, s7;
	s15 =	sshrl.u32 s15, $0x2  }
0x37: {  	s15 =	sor.u32 s23, s15  }
0x38: {  	[tilespmem:s15+$0x2800] =	vst v0;
	s6 =	rddreg [dreg:$0x7]  }
0x39: {  	[spmem:s6] =	stream.linear.scatter [tilespmem:s17], [sflag:$0x9], $0x2000, $0x38;
	[tilespmem:$0x1E440] =	vst v63  }
0x3a: {  	_ =	swait.ge [sflag:s16], $0x2000  }
0x3b: {  	[sflag:s16] =	ssyncset.done $0x0  }
0x3c: {  	s15 =	rddreg [dreg:$0x9];
	[sflag:s16] =	ssyncadd.s32 $0xFFFFE000  }
0x3d: {  	[spmem:s15] =	stream.linear.scatter [tilespmem:s17], [sflag:$0x9], $0x2000, $0x38;
	[tilespmem:$0x1E440] =	vst v63  }
0x3e: {  	_ =	swait.ge [sflag:s16], $0x2000  }
0x3f: {  	[sflag:s16] =	ssyncset.done $0x0  }
0x40: {  	s22 =	rddreg [dreg:$0xa];
	[sflag:s16] =	ssyncadd.s32 $0xFFFFE000  }
0x41: {  	[spmem:s22] =	stream.linear.scatter [tilespmem:s17], [sflag:$0x9], $0x2000, $0x38;
	[tilespmem:$0x1E440] =	vst v63  }
0x42: {  	_ =	swait.ge [sflag:s16], $0x2000  }
0x43: {  	[sflag:s16] =	ssyncset.done $0x0  }
0x44: {  	s23 =	rddreg [dreg:$0xb];
	[sflag:s16] =	ssyncadd.s32 $0xFFFFE000  }
0x45: {  	[spmem:s23] =	stream.linear.scatter [tilespmem:s17], [sflag:$0x9], $0x2000, $0x38;
	[tilespmem:$0x1E440] =	vst v63  }
0x46: {  	_ =	swait.ge [sflag:s16], $0x2000  }
0x47: {  	[sflag:s16] =	ssyncset.done $0x0  }
0x48: {  	s25 =	rddreg [dreg:$0xc];
	[sflag:s16] =	ssyncadd.s32 $0xFFFFE000  }
0x49: {  	[spmem:s25] =	stream.linear.scatter [tilespmem:s17], [sflag:$0x9], $0x2000, $0x38;
	[tilespmem:$0x1E440] =	vst v63  }
.Ltmp3:
0x4a: {  	_ =	swait.ge [sflag:s16], $0x2000;
	(pc) =	sbr.rel .LBB2_4-.Ltmp3, $4  }
0x4b: {  	[sflag:s16] =	ssyncset.done $0x0  }
0x4c: {  	[sflag:s16] =	ssyncadd.s32 $0xFFFFE000  }
0x4d: {  	[bflag:$0x0] =	sbarrier.arrive $0xFFFF  }
0x4e: {  	s23 =	simm.s32 $0x0;
	s25 =	simm.s32 $0x0  }
.LBB2_7:
0x4f: {  	_ =	swait.ge [sflag:s5], $0x2000  }
0x50: {  	[sflag:s5] =	ssyncset.done $0x0  }
0x51: {  	[sflag:s5] =	ssyncadd.s32 $0xFFFFE000  }
0x52: {  	[spmem:s3] =	stream.indirect.scatter.add.f32 [tilespmem:s30], [sflag:$0x8], $0x40, s15, s19, $0xb8;
	[tilespmem:$0x1E440] =	vst v63  }
0x53: {  	_ =	swait.ge [sflag:s11], $0x2000  }
0x54: {  	[sflag:s11] =	ssyncset.done $0x0  }
0x55: {  	s25 =	sadd.s32 $0x1, s25;
	[sflag:s11] =	ssyncadd.s32 $0xFFFFE000  }
0x56: {  	p0 =	sne.s32 s25, $0x4;
	_ =	swait.ge [sflag:s13], $0x2000  }
.Ltmp4:
0x57: {  	[sflag:s13] =	ssyncset.done $0x0;
	(pc) =	sbr.rel @!p0 .LBB2_8-.Ltmp4, $4  }
0x58: {  	[sflag:s13] =	ssyncadd.s32 $0xFFFFE000  }
0x59: {  	_ =	swait.ge [sflag:s14], $0x2000  }
0x5a: {  	[sflag:s14] =	ssyncset.done $0x0  }
0x5b: {  	[sflag:s14] =	ssyncadd.s32 $0xFFFFE000  }
.LBB2_4:
0x5c: {  	s6 =	smul.u32 $0x280, s25;
	_ =	sdelay $0x1  }
0x5d: {  	s7 =	sadd.s32 s6, s8  }
0x5e: {  	[tilespmem:s23], [sflag:$0x9] =	stream.linear.gather [hbm4b:s7+s23], $0x1400, $0x38;
	[tilespmem:$0x1E440] =	vst v63  }
0x5f: {  	_ =	swait.ge [sflag:s16], $0x1400  }
0x60: {  	[sflag:s16] =	ssyncset.done $0x0  }
0x61: {  	s6 =	sadd.s32 s6, s9;
	[sflag:s16] =	ssyncadd.s32 $0xFFFFEC00  }
0x62: {  	[tilespmem:s18], [sflag:$0x9] =	stream.linear.gather [hbm4b:s6+s23], $0x1400, $0x38;
	[tilespmem:$0x1E440] =	vst v63  }
0x63: {  	_ =	swait.ge [sflag:s16], $0x1400  }
0x64: {  	[sflag:s16] =	ssyncset.done $0x0  }
0x65: {  	[sflag:s16] =	ssyncadd.s32 $0xFFFFEC00  }
0x66: {  	[tilespmem:s17], [sflag:$0x1] =	stream.indirect.gather [spmem:s2], $0x40, s23, s19, $0xb8;
	[tilespmem:$0x1E440] =	vst v63  }
0x67: {  	_ = 	snop  }
0x68: {  	[tilespmem:s20], [sflag:$0x2] =	stream.indirect.gather [spmem:s2], $0x40, s19, s19, $0xb8;
	[tilespmem:$0x1E440] =	vst v63  }
0x69: {  	_ =	swait.ge [sflag:s21], $0x2000  }
0x6a: {  	[sflag:s21] =	ssyncset.done $0x0  }
0x6b: {  	[sflag:s21] =	ssyncadd.s32 $0xFFFFE000  }
0x6c: {  	[spmem:s3] =	stream.indirect.scatter.add.f32 [tilespmem:s17], [sflag:$0x5], $0x40, s18, s19, $0xb8;
	[tilespmem:$0x1E440] =	vst v63  }
0x6d: {  	s22 =	simm.s32 $0x100  }
0x6e: {  	[tilespmem:s24], [sflag:$0x3] =	stream.indirect.gather [spmem:s2], $0x40, s22, s19, $0xb8;
	[tilespmem:$0x1E440] =	vst v63  }
0x6f: {  	_ =	swait.ge [sflag:s26], $0x2000  }
0x70: {  	[sflag:s26] =	ssyncset.done $0x0  }
0x71: {  	[sflag:s26] =	ssyncadd.s32 $0xFFFFE000  }
0x72: {  	[spmem:s3] =	stream.indirect.scatter.add.f32 [tilespmem:s20], [sflag:$0x6], $0x40, s28, s19, $0xb8;
	[tilespmem:$0x1E440] =	vst v63  }
0x73: {  	_ = 	snop  }
0x74: {  	[tilespmem:s30], [sflag:$0x4] =	stream.indirect.gather [spmem:s2], $0x40, s29, s19, $0xb8;
	[tilespmem:$0x1E440] =	vst v63  }
0x75: {  	_ =	swait.ge [sflag:s31], $0x2000  }
0x76: {  	[sflag:s31] =	ssyncset.done $0x0  }
0x77: {  	[sflag:s31] =	ssyncadd.s32 $0xFFFFE000  }
0x78: {  	[spmem:s3] =	stream.indirect.scatter.add.f32 [tilespmem:s24], [sflag:$0x7], $0x40, s0, s19, $0xb8;
	[tilespmem:$0x1E440] =	vst v63  }
0x79: {  	_ =	swait.ge [sflag:s1], $0x2000  }
0x7a: {  	[sflag:s1] =	ssyncset.done $0x0  }
0x7b: {  	[sflag:s1] =	ssyncadd.s32 $0xFFFFE000  }
0x7c: {  	[tilespmem:s17], [sflag:$0x1] =	stream.indirect.gather [spmem:s2], $0x40, s4, s19, $0xb8;
	[tilespmem:$0x1E440] =	vst v63  }
0x7d: {  	_ =	swait.ge [sflag:s5], $0x2000  }
0x7e: {  	[sflag:s5] =	ssyncset.done $0x0  }
0x7f: {  	[sflag:s5] =	ssyncadd.s32 $0xFFFFE000  }
0x80: {  	[spmem:s3] =	stream.indirect.scatter.add.f32 [tilespmem:s30], [sflag:$0x8], $0x40, s10, s19, $0xb8;
	[tilespmem:$0x1E440] =	vst v63  }
0x81: {  	_ =	swait.ge [sflag:s11], $0x2000  }
0x82: {  	[sflag:s11] =	ssyncset.done $0x0  }
0x83: {  	s7 =	simm.s32 $0x0;
	[sflag:s11] =	ssyncadd.s32 $0xFFFFE000  }
0x84: {  	[tilespmem:s20], [sflag:$0x2] =	stream.indirect.gather [spmem:s2], $0x40, s12, s19, $0xb8;
	[tilespmem:$0x1E440] =	vst v63  }
.LBB2_5:
0x85: {  	_ =	swait.ge [sflag:s21], $0x2000  }
0x86: {  	s6 =	sshra.s32 s7, $0x2;
	[sflag:s21] =	ssyncset.done $0x0  }
0x87: {  	s15 =	sadd.s32 $0x1600, s6;
	[sflag:s21] =	ssyncadd.s32 $0xFFFFE000  }
0x88: {  	[spmem:s3] =	stream.indirect.scatter.add.f32 [tilespmem:s17], [sflag:$0x5], $0x40, s15, s19, $0xb8;
	[tilespmem:$0x1E440] =	vst v63  }
0x89: {  	_ =	swait.ge [sflag:s13], $0x2000  }
0x8a: {  	[sflag:s13] =	ssyncset.done $0x0  }
0x8b: {  	s22 =	sadd.s32 $0x300, s6;
	[sflag:s13] =	ssyncadd.s32 $0xFFFFE000  }
0x8c: {  	[tilespmem:s24], [sflag:$0x3] =	stream.indirect.gather [spmem:s2], $0x40, s22, s19, $0xb8;
	[tilespmem:$0x1E440] =	vst v63  }
0x8d: {  	_ =	swait.ge [sflag:s26], $0x2000  }
0x8e: {  	[sflag:s26] =	ssyncset.done $0x0  }
0x8f: {  	s22 =	sadd.s32 $0x1680, s6;
	[sflag:s26] =	ssyncadd.s32 $0xFFFFE000  }
0x90: {  	[spmem:s3] =	stream.indirect.scatter.add.f32 [tilespmem:s20], [sflag:$0x6], $0x40, s22, s19, $0xb8;
	[tilespmem:$0x1E440] =	vst v63  }
0x91: {  	_ =	swait.ge [sflag:s14], $0x2000  }
0x92: {  	[sflag:s14] =	ssyncset.done $0x0  }
0x93: {  	s22 =	sadd.s32 $0x380, s6;
	[sflag:s14] =	ssyncadd.s32 $0xFFFFE000  }
0x94: {  	[tilespmem:s30], [sflag:$0x4] =	stream.indirect.gather [spmem:s2], $0x40, s22, s19, $0xb8;
	[tilespmem:$0x1E440] =	vst v63  }
0x95: {  	_ =	swait.ge [sflag:s31], $0x2000  }
0x96: {  	p0 =	seq.s32 s7, $0x4000;
	[sflag:s31] =	ssyncset.done $0x0  }
.Ltmp5:
0x97: {  	s22 =	sadd.s32 $0x1700, s6;
	[sflag:s31] =	ssyncadd.s32 $0xFFFFE000;
	(pc) =	sbr.rel @p0 .LBB2_7-.Ltmp5, $4  }
0x98: {  	[spmem:s3] =	stream.indirect.scatter.add.f32 [tilespmem:s24], [sflag:$0x7], $0x40, s22, s19, $0xb8;
	[tilespmem:$0x1E440] =	vst v63  }
0x99: {  	_ =	swait.ge [sflag:s1], $0x2000  }
0x9a: {  	[sflag:s1] =	ssyncset.done $0x0  }
0x9b: {  	s15 =	sadd.s32 $0x1780, s6;
	[sflag:s1] =	ssyncadd.s32 $0xFFFFE000  }
0x9c: {  	s22 =	sadd.s32 $0x400, s6  }
0x9d: {  	[tilespmem:s17], [sflag:$0x1] =	stream.indirect.gather [spmem:s2], $0x40, s22, s19, $0xb8;
	[tilespmem:$0x1E440] =	vst v63  }
0x9e: {  	_ =	swait.ge [sflag:s5], $0x2000  }
0x9f: {  	[sflag:s5] =	ssyncset.done $0x0  }
0xa0: {  	[sflag:s5] =	ssyncadd.s32 $0xFFFFE000  }
0xa1: {  	[spmem:s3] =	stream.indirect.scatter.add.f32 [tilespmem:s30], [sflag:$0x8], $0x40, s15, s19, $0xb8;
	[tilespmem:$0x1E440] =	vst v63  }
.Ltmp6:
0xa2: {  	_ = 	snop;
	(pc) =	sbr.rel .LBB2_5-.Ltmp6, $4  }
0xa3: {  	_ =	swait.ge [sflag:s11], $0x2000  }
0xa4: {  	[sflag:s11] =	ssyncset.done $0x0  }
0xa5: {  	s7 =	sadd.s32 $0x800, s7;
	s22 =	sadd.s32 $0x480, s6;
	[sflag:s11] =	ssyncadd.s32 $0xFFFFE000  }
0xa6: {  	[tilespmem:s20], [sflag:$0x2] =	stream.indirect.gather [spmem:s2], $0x40, s22, s19, $0xb8;
	[tilespmem:$0x1E440] =	vst v63  }
.LBB2_9:
0xa7: {  	_ =	sfence.sel $0x180000  }
0xa8: {  	[bflag:$0x0] =	sbarrier.arrive $0xFFFF  }
0xa9: {  	_ =	strace $0x90000047  }
0xaa: {  	s0 =	stileid.u32;
	[bflag:$0x2] =	sbarrier.arrive $0xFFFF  }
0xab: {  	p0 =	sne.s32 s0, $0x0;
	s0 =	rddreg [dreg:$0x4]  }
0xac: {  	s0 =	sadd.s32 @!p0 $0x100000, s0  }
0xad: {  	[sflag:s0] =	ssyncadd.tile.s32 @!p0 $0x1;
	_ =	shalt  }
.Lfunc_end2:
_tile_overlayer_lowered:
.L_overlay_start_2:
0xae: {  	(tag) =	ssettag $0x2  }
0xaf: {  	s0 =	rddreg [dreg:$0x0];
	s2 =	stileid.u32  }
0xb0: {  	s1 =	rddreg [dreg:$0x1];
	p0 =	sne.s32 s2, $0x0  }
0xb1: {  	s3 =	rddreg [dreg:$0x2];
	[bflag:$0x3] =	sbarrier.arrive $0xFFFF;
	s2 =	simm.s32 @!p0 $0x1C09  }
0xb2: {  	[timem:s3], [sflag:s2] =	dma.local @!p0 [hbm:s0], s1  }
0xb3: {  	s0 =	simm.s32 @!p0 $0x9  }
0xb4: {  	_ =	swait.ge @!p0 [sflag:s0], s1  }
0xb5: {  	s1 =	ssub.s32 @!p0 $0x0, s1;
	[sflag:s0] =	ssyncset.done @!p0 $0x0  }
0xb6: {  	[sflag:s0] =	ssyncadd.s32 @!p0 s1  }
0xb7: {  	[bflag:$0x3] =	sbarrier.arrive $0xFFFF  }
0xb8: {  	_ =	shalt  }

// kernel: kernel.9.cloned.1.call-start
scs
__scs_entry_jumppad:
0x0: {  	(pc) =	sbr.rel $0x88, $3  }
0x1: {  	(tag) =	ssettag $0x0;
	lr =	simm.s32 $0x1  }
0x2: {  	[smem:$0x3F99] =	sst lr;
	_ =	strace $0xD0000000  }
0x3: {  	_ = 	snop  }
0x4: {  	_ = 	snop  }
0x5: {  	_ = 	snop  }
0x6: {  	_ = 	snop  }
0x7: {  	_ = 	snop  }
__scs_overlays_trampoline_lowered:
0x8: {  	[smem:$0x3FA8] =	sst s0  }
0x9: {  	[smem:$0x3FA9] =	sst s1  }
0xa: {  	[smem:$0x3FAA] =	sst s2  }
0xb: {  	[smem:$0x3FAB] =	sst s3  }
0xc: {  	[smem:$0x3FAC] =	sst s4  }
0xd: {  	[smem:$0x3FAD] =	sst s5  }
0xe: {  	[smem:$0x3FAE] =	sst s6  }
0xf: {  	[smem:$0x3FAF] =	sst s7  }
0x10: {  	[smem:$0x3FB0] =	sst s8  }
0x11: {  	[smem:$0x3FB1] =	sst s9;
	s0 =	simm.s32 @!p0 $0x0  }
0x12: {  	s1 =	sld [smem:$0x3F97];
	s0 =	simm.s32 @p0 $0x1  }
0x13: {  	[smem:$0x3FB2] =	sst s0;
	s0 =	simm.s32 @!p1 $0x0  }
0x14: {  	s2 =	sld [smem:$0x3F96];
	s0 =	simm.s32 @p1 $0x1  }
0x15: {  	[smem:$0x3FB3] =	sst s0;
	s0 =	simm.s32 @!p2 $0x0  }
0x16: {  	s3 =	sld [smem:$0x3FDB];
	s0 =	simm.s32 @p2 $0x1  }
0x17: {  	s4 =	simm.s32 $0x1BF5;
	[smem:$0x3FB5] =	sst s0  }
0x18: {  	s0 =	sld [smem:$0x3F98];
	_ =	swait.ge [sflag:s4], $0x0  }
0x19: {  	s7 =	sld [smem:$0x3F99]  }
0x1a: {  	s8 =	sadd.s32 $0xFFFFE003, lr  }
0x1b: {  	s9 =	sadd.s32 $0xFFFFFEF7, lr;
	s5 =	simm.s32 $0xFFFFFFFF;
	p2 =	slt.u32 s8, $0xFFFFF086  }
0x1c: {  	p1 =	slt.u32 s9, $0xF7A;
	s5 =	simm.s32 @!p2 $0x0  }
0x1d: {  	s5 =	simm.s32 @p1 $0x1;
	p0 =	seq.s32 s7, s2  }
0x1e: {  	s7 =	smul.u32 @!p0 $0xF7A, s2;
	p2 =	seq.s32 @!p0 s5, $0x0  }
0x1f: {  	s9 =	smul.u32 $0xF7A, s1;
	s8 =	simm.s32 @!p0 $0x1BF5;
	p2 =	por !p2, p0  }
0x20: {  	[sflag:s8] =	ssyncset.s32 @!p0 $0xFFFFF086;
	s6 =	sadd.s32 @!p0 s3, s7;
	s7 =	simm.s32 @!p0 $0x108  }
0x21: {  	s3 =	sadd.s32 s3, s9;
	s6 =	sadd.s32 @!p0 $0x88, s6;
	s7 =	simm.s32 @p2 $0x1082  }
0x22: {  	[simem:s7], [sflag:s8] =	dma.local @!p0 [hbm:s6], $0xF7A  }
0x23: {  	s9 =	sor.u32 $0xD0000000, s2;
	s6 =	simm.s32 $0x108;
	_ =	swait.ge @!p0 [sflag:s8], $0x0  }
0x24: {  	s3 =	sadd.s32 $0x88, s3;
	s6 =	simm.s32 @!p1 $0x1082;
	[sflag:s4] =	ssyncset.s32 $0xFFFFF086  }
0x25: {  	[simem:s6], [sflag:s4] =	dma.local [hbm:s3], $0xF7A  }
0x26: {  	[smem:$0x3F99] =	sst s1;
	(tag) =	ssettag s2;
	_ =	strace s9  }
0x27: {  	s1 =	sld [smem:$0x3FA9]  }
0x28: {  	s2 =	sld [smem:$0x3FAA]  }
0x29: {  	s4 =	sld [smem:$0x3FAC]  }
0x2a: {  	p0 =	seq.s32 s5, $0x0;
	s5 =	sld [smem:$0x3FAD]  }
0x2b: {  	s6 =	sld [smem:$0x3FAE]  }
0x2c: {  	s7 =	sld [smem:$0x3FAF]  }
0x2d: {  	s3 =	simm.s32 $0x108;
	s8 =	sld [smem:$0x3FB0]  }
0x2e: {  	s3 =	simm.s32 @!p0 $0x1082;
	s9 =	sld [smem:$0x3FB1]  }
0x2f: {  	lr =	sadd.s32 s0, s3;
	s0 =	sld [smem:$0x3FA8]  }
0x30: {  	s3 =	sld [smem:$0x3FAB]  }
0x31: {  	[smem:$0x3FB4] =	sst s10  }
0x32: {  	s10 =	sld [smem:$0x3FB2];
	_ =	sdelay $0x3  }
0x33: {  	p0 =	seq.s32 s10, $0x1;
	s10 =	sld [smem:$0x3FB4];
	_ =	sdelay $0x3  }
0x34: {  	[smem:$0x3FB4] =	sst s10  }
0x35: {  	s10 =	sld [smem:$0x3FB3];
	_ =	sdelay $0x3  }
0x36: {  	p1 =	seq.s32 s10, $0x1;
	s10 =	sld [smem:$0x3FB4];
	_ =	sdelay $0x3  }
0x37: {  	[smem:$0x3FB4] =	sst s10  }
0x38: {  	s10 =	sld [smem:$0x3FB5]  }
0x39: {  	_ = 	snop;
	(pc) =	sbr.ind lr, $3  }
0x3a: {  	_ = 	snop  }
0x3b: {  	_ = 	snop  }
0x3c: {  	p2 =	seq.s32 s10, $0x1;
	s10 =	sld [smem:$0x3FB4]  }
0x3d: {  	_ =	shalt  }
0x3e: {  	_ =	shalt  }
0x3f: {  	_ =	shalt  }
0x40: {  	_ =	shalt  }
0x41: {  	_ =	shalt  }
0x42: {  	_ =	shalt  }
0x43: {  	_ =	shalt  }
0x44: {  	_ =	shalt  }
0x45: {  	_ =	shalt  }
0x46: {  	_ =	shalt  }
0x47: {  	_ =	shalt  }
0x48: {  	_ =	shalt  }
0x49: {  	_ =	shalt  }
0x4a: {  	_ =	shalt  }
0x4b: {  	_ =	shalt  }
0x4c: {  	_ =	shalt  }
0x4d: {  	_ =	shalt  }
0x4e: {  	_ =	shalt  }
0x4f: {  	_ =	shalt  }
0x50: {  	_ =	shalt  }
0x51: {  	_ =	shalt  }
0x52: {  	_ =	shalt  }
0x53: {  	_ =	shalt  }
0x54: {  	_ =	shalt  }
0x55: {  	_ =	shalt  }
0x56: {  	_ =	shalt  }
0x57: {  	_ =	shalt  }
0x58: {  	_ =	shalt  }
0x59: {  	_ =	shalt  }
0x5a: {  	_ =	shalt  }
0x5b: {  	_ =	shalt  }
0x5c: {  	_ =	shalt  }
0x5d: {  	_ =	shalt  }
0x5e: {  	_ =	shalt  }
0x5f: {  	_ =	shalt  }
0x60: {  	_ =	shalt  }
0x61: {  	_ =	shalt  }
0x62: {  	_ =	shalt  }
0x63: {  	_ =	shalt  }
0x64: {  	_ =	shalt  }
0x65: {  	_ =	shalt  }
0x66: {  	_ =	shalt  }
0x67: {  	_ =	shalt  }
0x68: {  	_ =	shalt  }
0x69: {  	_ =	shalt  }
0x6a: {  	_ =	shalt  }
0x6b: {  	_ =	shalt  }
0x6c: {  	_ =	shalt  }
0x6d: {  	_ =	shalt  }
0x6e: {  	_ =	shalt  }
0x6f: {  	_ =	shalt  }
0x70: {  	_ =	shalt  }
0x71: {  	_ =	shalt  }
0x72: {  	_ =	shalt  }
0x73: {  	_ =	shalt  }
0x74: {  	_ =	shalt  }
0x75: {  	_ =	shalt  }
0x76: {  	_ =	shalt  }
0x77: {  	_ =	shalt  }
0x78: {  	_ =	shalt  }
0x79: {  	_ =	shalt  }
0x7a: {  	_ =	shalt  }
0x7b: {  	_ =	shalt  }
0x7c: {  	_ =	shalt  }
0x7d: {  	_ =	shalt  }
0x7e: {  	_ =	shalt  }
0x7f: {  	_ =	shalt  }
0x80: {  	_ =	shalt  }
0x81: {  	_ =	shalt  }
0x82: {  	_ =	shalt  }
0x83: {  	_ =	shalt  }
0x84: {  	_ =	shalt  }
0x85: {  	_ =	shalt  }
0x86: {  	_ =	shalt  }
0x87: {  	_ =	shalt  }
.Lfunc_end0:
.L_simem_size_0:
called_computation.1_lowered:
.L_overlay_start_0:
0x88: {  	s2 =	sld [smem:$0x3FD9]  }
0x89: {  	s3 =	sld [smem:$0x3FFE];
	_ =	sdelay $0x1  }
0x8a: {  	s1 =	srdreg.scid  }
0x8b: {  	s0 =	sand.u32 $0x1, s1  }
0x8c: {  	s17 =	sshll.u32 s0, $0xA;
	s2 =	sadd.s32 s3, s2  }
0x8d: {  	s2 =	sadd.s32 s2, s17  }
0x8e: {  	[smem:$0x3FC0] =	sst s2  }
0x8f: {  	_ = 	snop  }
0x90: {  	s2 =	sld [smem:$0x3FD0];
	(tm) =	ssettm $0x1  }
0x91: {  	s18 =	sld [smem:$0x3FFB];
	_ =	sdelay $0x3  }
0x92: {  	_ =	strace s18  }
0x93: {  	s3 =	sld [smem:$0x3FFC];
	_ =	sdelay $0x3  }
0x94: {  	_ =	strace s3  }
0x95: {  	s3 =	sld [smem:$0x3FFD];
	_ =	sdelay $0x3  }
0x96: {  	_ =	strace s3  }
0x97: {  	_ =	strace $0x8FFFFFFF  }
0x98: {  	s19 =	sld [smem:$0x3FDB];
	_ =	sdelay $0x1  }
0x99: {  	s4 =	simm.s32 $_scs_section_size  }
0x9a: {  	s5 =	simm.s32 $_size__tile_overlayer_lowered;
	s6 =	simm.s32 $_tile_overlayer_lowered  }
0x9b: {  	s22 =	simm.s32 $0x1BFF;
	s21 =	sshll.u32 s6, $0x1;
	s3 =	sadd.s32 s4, s19  }
0x9c: {  	s7 =	simm.s32 $0x0;
	s20 =	sshll.u32 s5, $0x1;
	s5 =	sadd.s32 s21, s3  }
0x9d: {  	[timem:s7], [sflag:s22] =	dma.local [hbm:s5], s20  }
0x9e: {  	_ =	swait.ge [sflag:s22], s20  }
0x9f: {  	s4 =	ssub.s32 $0x0, s20;
	[sflag:s22] =	ssyncset.done $0x0  }
0xa0: {  	[sflag:s22] =	ssyncadd.s32 s4;
	_ =	sdelay $0x1  }
0xa1: {  	s23 =	simm.s32 $0x1B8B  }
0xa2: {  	_ =	swait.ge [sflag:s23], $0x1  }
0xa3: {  	[sflag:s23] =	ssyncset.done $0x0  }
0xa4: {  	s25 =	simm.s32 $0x1B8E;
	s24 =	sld [smem:$0x3FFE];
	[sflag:s23] =	ssyncadd.s32 $0xFFFFFFFF  }
0xa5: {  	s26 =	simm.s32 $execute0_lowered;
	[smem:$0x3FD2] =	sst s25  }
0xa6: {  	s5 =	sshll.u32 s26, $0x1;
	_ =	strace $0x80000049;
	[dreg:$0x1] =	wrdreg $0xFFFFFFFF  }
0xa7: {  	s28 =	simm.s32 $_size_execute0_lowered;
	s3 =	sadd.s32 s3, s5;
	[dreg:$0x0] =	wrdreg $0x0  }
0xa8: {  	s5 =	sshll.u32 s28, $0x1;
	[dreg:$0x2] =	wrdreg s3  }
0xa9: {  	[dreg:$0x3] =	wrdreg s5  }
0xaa: {  	[dreg:$0x4] =	wrdreg $0xC0  }
0xab: {  	_ =	task [dreg:s7], $0x5FFFF  }
0xac: {  	[dreg:$0x1] =	wrdreg $0xFFFFFFFF  }
0xad: {  	[dreg:$0x0] =	wrdreg $0x60  }
0xae: {  	[dreg:$0x2] =	wrdreg s24  }
0xaf: {  	[dreg:$0x3] =	wrdreg s2  }
0xb0: {  	[dreg:$0x4] =	wrdreg $0x148000  }
0xb1: {  	[dreg:$0x5] =	wrdreg $0xA8000  }
0xb2: {  	[dreg:$0x6] =	wrdreg $0x9  }
0xb3: {  	_ =	task.clear_ibuf [dreg:s7], $0x7FFFF;
	_ =	strace $0x90000049  }
0xb4: {  	s29 =	simm.s32 $0x9;
	_ =	strace $0x8000004B  }
0xb5: {  	_ =	swait.ge [sflag:s29], $0x1  }
0xb6: {  	[sflag:s29] =	ssyncadd.s32 $0xFFFFFFFF  }
0xb7: {  	_ =	strace $0x9000004B  }
0xb8: {  	_ =	sfence  }
0xb9: {  	s30 =	sld [smem:$0x0];
	_ =	sdelay $0x2  }
0xba: {  	s31 =	sshll.u32 s1, $0xD;
	s1 =	sshrl.u32 s1, $0x2  }
0xbb: {  	s3 =	sand.u32 $0x4000, s31;
	s1 =	sadd.s32 s1, s30  }
0xbc: {  	s0 =	sor.u32 s3, s0;
	s1 =	sshll.u32 s1, $0x11  }
0xbd: {  	s0 =	sor.u32 s1, s0  }
0xbe: {  	s0 =	sadd.s32 $0x8F2B, s0  }
0xbf: {  	[sflag:s0] =	ssyncadd.remote.s32 $0x1  }
0xc0: {  	_ =	sfence.sel $0xFFFF  }
0xc1: {  	[dreg:$0x0] =	wrdreg $0xFFFFFFFF;
	(pc) =	sbr.abs _section_cstart, $3  }
0xc2: {  	[dreg:$0x1] =	wrdreg $0xFFFFFFFF  }
0xc3: {  	_ =	task.clear_ibuf [dreg:s7], $0x2FFFF;
	_ =	strace $0x9FFFFFFF  }
0xc4: {  	(tm) =	ssettm $0x7FFFFFFF  }
0xc5: {  	_ =	shalt  }
tec
execute0_lowered:
.L_overlay_start_1:
0x0: {  	(tag) =	ssettag $0x1  }
0x1: {  	s0 =	rddreg [dreg:$0x0]  }
0x2: {  	s1 =	rddreg [dreg:$0x1]  }
0x3: {  	s2 =	rddreg [dreg:$0x2]  }
0x4: {  	s3 =	rddreg [dreg:$0x3]  }
0x5: {  	s11 =	stileid.u32;
	s4 =	srdreg.scid;
	s6 =	simm.s32 $0x0  }
0x6: {  	s16 =	simm.s32 $0x9;
	s17 =	simm.s32 $0x2800;
	s18 =	simm.s32 $0x1400  }
0x7: {  	s19 =	simm.s32 $0x80;
	s28 =	simm.s32 $0x1480;
	s5 =	smul.u32 $0xA00, s11  }
0x8: {  	s29 =	simm.s32 $0x180;
	s30 =	simm.s32 $0x8800;
	s8 =	smul.u32 $0x9C40, s11  }
0x9: {  	s31 =	simm.s32 $0x3;
	s4 =	sand.u32 $0x1, s4;
	s26 =	smul.u32 $0x28000, s11  }
0xa: {  	[smem:$0x7FF] =	sst s6;
	s12 =	sshll.u32 s11, $0x6;
	s14 =	smul.u32 $0xA000, s11  }
0xb: {  	s11 =	simm.s32 $0x6;
	s24 =	smul.u32 $0x14000, s4;
	_ =	strace $0x8000004A  }
0xc: {  	s7 =	ssub.s32 $0x2, s4;
	s4 =	smul.u32 $0x13880, s4;
	s5 =	sadd.s32 s5, s0  }
0xd: {  	s9 =	sshrl.u32 s7, $0x1;
	s10 =	sadd.s32 s8, s2;
	s13 =	sshrl.u32 s26, $0x2  }
0xe: {  	s15 =	sshrl.u32 s14, $0x3;
	s0 =	sadd.s32 s24, s0;
	s25 =	ssub.s32 s7, s9  }
0xf: {  	s1 =	sadd.s32 s1, s4;
	s7 =	sor.u32 $0x1C09, s12;
	s12 =	sadd.s32 s13, s3  }
0x10: {  	s9 =	sshrl.u32 s8, $0x3;
	s8 =	sadd.s32 $0xB400, s5;
	[dreg:$0x7] =	wrdreg s12  }
0x11: {  	s4 =	simm.s32 $0x200;
	s1 =	sadd.s32 s9, s1;
	[dreg:$0x6] =	wrdreg s7  }
0x12: {  	s13 =	simm.s32 $0x7;
	s20 =	smax.u32 s25, $0x1;
	[dreg:$0x5] =	wrdreg s1  }
0x13: {  	s9 =	sadd.s32 $0x1400, s5;
	s21 =	sadd.s32 $0x2000, s12;
	[dreg:$0x8] =	wrdreg s20  }
0x14: {  	s0 =	sadd.s32 $0x15400, s0;
	s22 =	sadd.s32 $0x4000, s12;
	[dreg:$0x9] =	wrdreg s21  }
0x15: {  	s23 =	sadd.s32 $0x6000, s12;
	s24 =	sadd.s32 $0x8000, s12;
	[dreg:$0xa] =	wrdreg s22  }
0x16: {  	s25 =	sshrl.u32 s10, $0x3;
	s5 =	simm.s32 $0x4;
	[dreg:$0xb] =	wrdreg s23  }
0x17: {  	s10 =	simm.s32 $0x1580;
	s12 =	simm.s32 $0x280;
	[dreg:$0xc] =	wrdreg s24  }
.Ltmp0:
0x18: {  	s1 =	sadd.s32 s14, s3;
	[dreg:$0xd] =	wrdreg s25;
	(pc) =	sbr.rel .LBB2_1-.Ltmp0, $4  }
0x19: {  	s20 =	simm.s32 $0x4800;
	s21 =	simm.s32 $0x1;
	s0 =	sadd.s32 s15, s0  }
0x1a: {  	s24 =	simm.s32 $0x6800;
	s14 =	simm.s32 $0x8;
	s15 =	simm.s32 $0x0  }
0x1b: {  	[dreg:$0xe] =	wrdreg s0;
	s26 =	sshrl.u32 s1, $0x3;
	s0 =	simm.s32 $0x1500  }
0x1c: {  	v0 =	vimm.f32 $0.0e+00;
	s1 =	simm.s32 $0x5;
	[dreg:$0xf] =	wrdreg s26;
	s26 =	simm.s32 $0x2  }
.LBB2_8:
0x1d: {  	[bflag:$0x0] =	sbarrier.arrive $0xFFFF  }
0x1e: {  	s7 =	rddreg [dreg:$0x6]  }
0x1f: {  	s6 =	rddreg [dreg:$0xe]  }
0x20: {  	s15 =	rddreg [dreg:$0xf]  }
0x21: {  	[hbm:s6], [sflag:s7] =	dma.local [spmem:s15], $0x1400  }
0x22: {  	_ =	swait.ge [sflag:s16], $0x1400  }
0x23: {  	s23 =	rddreg [dreg:$0x10]  }
0x24: {  	s25 =	rddreg [dreg:$0x8];
	s15 =	sadd.s32 $0x1, s23  }
0x25: {  	p0 =	sne.s32 s15, s25  }
.Ltmp1:
0x26: {  	_ = 	snop;
	(pc) =	sbr.rel @!p0 .LBB2_9-.Ltmp1, $3  }
0x27: {  	_ =	sdelay $0x1  }
0x28: {  	[sflag:s16] =	ssyncset.done $0x0  }
0x29: {  	[sflag:s16] =	ssyncadd.s32 $0xFFFFEC00  }
.LBB2_1:
0x2a: {  	[dreg:$0x10] =	wrdreg s15  }
0x2b: {  	s6 =	rddreg [dreg:$0x5]  }
0x2c: {  	s25 =	rddreg [dreg:$0xd];
	s22 =	simm.s32 $0x0  }
0x2d: {  	[spmem:s25], [sflag:s7] =	dma.local [hbm:s6], $0x1388  }
0x2e: {  	s23 =	sand.u32 $0x7F00, s22;
	s7 =	sand.u32 $0x30, s22;
	_ =	swait.ge [sflag:s16], $0x1388  }
0x2f: {  	s6 =	simm.s32 $0x40;
	s25 =	sshrl.u32 s23, $0x2;
	[sflag:s16] =	ssyncset.done $0x0  }
0x30: {  	s15 =	sor.u32 s7, s25;
	s7 =	simm.s32 $0x0;
	[sflag:s16] =	ssyncadd.s32 $0xFFFFEC78  }
.LBB2_2:
0x31: {  	p0 =	sne.s32 s6, $0x7FC0  }
0x32: {  	[tilespmem:s15+$0x2800] =	vst v0;
	s7 =	sadd.s32 $0x10, s7;
	s15 =	smov.u32 s6;
	s6 =	sadd.s32 $0x40, s6  }
.Ltmp2:
0x33: {  	(pc) =	sbr.rel @p0 .LBB2_2-.Ltmp2, $4  }
0x34: {  	_ = 	snop  }
0x35: {  	s15 =	sand.u32 $0x7F00, s15  }
0x36: {  	s23 =	sand.u32 $0x30, s7;
	s15 =	sshrl.u32 s15, $0x2  }
0x37: {  	s15 =	sor.u32 s23, s15  }
0x38: {  	[tilespmem:s15+$0x2800] =	vst v0;
	s6 =	rddreg [dreg:$0x7]  }
0x39: {  	[spmem:s6] =	stream.linear.scatter [tilespmem:s17], [sflag:$0x9], $0x2000, $0x38;
	[tilespmem:$0x1E440] =	vst v63  }
0x3a: {  	_ =	swait.ge [sflag:s16], $0x2000  }
0x3b: {  	[sflag:s16] =	ssyncset.done $0x0  }
0x3c: {  	s15 =	rddreg [dreg:$0x9];
	[sflag:s16] =	ssyncadd.s32 $0xFFFFE000  }
0x3d: {  	[spmem:s15] =	stream.linear.scatter [tilespmem:s17], [sflag:$0x9], $0x2000, $0x38;
	[tilespmem:$0x1E440] =	vst v63  }
0x3e: {  	_ =	swait.ge [sflag:s16], $0x2000  }
0x3f: {  	[sflag:s16] =	ssyncset.done $0x0  }
0x40: {  	s22 =	rddreg [dreg:$0xa];
	[sflag:s16] =	ssyncadd.s32 $0xFFFFE000  }
0x41: {  	[spmem:s22] =	stream.linear.scatter [tilespmem:s17], [sflag:$0x9], $0x2000, $0x38;
	[tilespmem:$0x1E440] =	vst v63  }
0x42: {  	_ =	swait.ge [sflag:s16], $0x2000  }
0x43: {  	[sflag:s16] =	ssyncset.done $0x0  }
0x44: {  	s23 =	rddreg [dreg:$0xb];
	[sflag:s16] =	ssyncadd.s32 $0xFFFFE000  }
0x45: {  	[spmem:s23] =	stream.linear.scatter [tilespmem:s17], [sflag:$0x9], $0x2000, $0x38;
	[tilespmem:$0x1E440] =	vst v63  }
0x46: {  	_ =	swait.ge [sflag:s16], $0x2000  }
0x47: {  	[sflag:s16] =	ssyncset.done $0x0  }
0x48: {  	s25 =	rddreg [dreg:$0xc];
	[sflag:s16] =	ssyncadd.s32 $0xFFFFE000  }
0x49: {  	[spmem:s25] =	stream.linear.scatter [tilespmem:s17], [sflag:$0x9], $0x2000, $0x38;
	[tilespmem:$0x1E440] =	vst v63  }
.Ltmp3:
0x4a: {  	_ =	swait.ge [sflag:s16], $0x2000;
	(pc) =	sbr.rel .LBB2_4-.Ltmp3, $4  }
0x4b: {  	[sflag:s16] =	ssyncset.done $0x0  }
0x4c: {  	[sflag:s16] =	ssyncadd.s32 $0xFFFFE000  }
0x4d: {  	[bflag:$0x0] =	sbarrier.arrive $0xFFFF  }
0x4e: {  	s23 =	simm.s32 $0x0;
	s25 =	simm.s32 $0x0  }
.LBB2_7:
0x4f: {  	_ =	swait.ge [sflag:s5], $0x2000  }
0x50: {  	[sflag:s5] =	ssyncset.done $0x0  }
0x51: {  	[sflag:s5] =	ssyncadd.s32 $0xFFFFE000  }
0x52: {  	[spmem:s3] =	stream.indirect.scatter.add.f32 [tilespmem:s30], [sflag:$0x8], $0x40, s15, s19, $0xb8;
	[tilespmem:$0x1E440] =	vst v63  }
0x53: {  	_ =	swait.ge [sflag:s11], $0x2000  }
0x54: {  	[sflag:s11] =	ssyncset.done $0x0  }
0x55: {  	s25 =	sadd.s32 $0x1, s25;
	[sflag:s11] =	ssyncadd.s32 $0xFFFFE000  }
0x56: {  	p0 =	sne.s32 s25, $0x4;
	_ =	swait.ge [sflag:s13], $0x2000  }
.Ltmp4:
0x57: {  	[sflag:s13] =	ssyncset.done $0x0;
	(pc) =	sbr.rel @!p0 .LBB2_8-.Ltmp4, $4  }
0x58: {  	[sflag:s13] =	ssyncadd.s32 $0xFFFFE000  }
0x59: {  	_ =	swait.ge [sflag:s14], $0x2000  }
0x5a: {  	[sflag:s14] =	ssyncset.done $0x0  }
0x5b: {  	[sflag:s14] =	ssyncadd.s32 $0xFFFFE000  }
.LBB2_4:
0x5c: {  	s6 =	smul.u32 $0x280, s25;
	_ =	sdelay $0x1  }
0x5d: {  	s7 =	sadd.s32 s6, s8  }
0x5e: {  	[tilespmem:s23], [sflag:$0x9] =	stream.linear.gather [hbm4b:s7+s23], $0x1400, $0x38;
	[tilespmem:$0x1E440] =	vst v63  }
0x5f: {  	_ =	swait.ge [sflag:s16], $0x1400  }
0x60: {  	[sflag:s16] =	ssyncset.done $0x0  }
0x61: {  	s6 =	sadd.s32 s6, s9;
	[sflag:s16] =	ssyncadd.s32 $0xFFFFEC00  }
0x62: {  	[tilespmem:s18], [sflag:$0x9] =	stream.linear.gather [hbm4b:s6+s23], $0x1400, $0x38;
	[tilespmem:$0x1E440] =	vst v63  }
0x63: {  	_ =	swait.ge [sflag:s16], $0x1400  }
0x64: {  	[sflag:s16] =	ssyncset.done $0x0  }
0x65: {  	[sflag:s16] =	ssyncadd.s32 $0xFFFFEC00  }
0x66: {  	[tilespmem:s17], [sflag:$0x1] =	stream.indirect.gather [spmem:s2], $0x40, s23, s19, $0xb8;
	[tilespmem:$0x1E440] =	vst v63  }
0x67: {  	_ = 	snop  }
0x68: {  	[tilespmem:s20], [sflag:$0x2] =	stream.indirect.gather [spmem:s2], $0x40, s19, s19, $0xb8;
	[tilespmem:$0x1E440] =	vst v63  }
0x69: {  	_ =	swait.ge [sflag:s21], $0x2000  }
0x6a: {  	[sflag:s21] =	ssyncset.done $0x0  }
0x6b: {  	[sflag:s21] =	ssyncadd.s32 $0xFFFFE000  }
0x6c: {  	[spmem:s3] =	stream.indirect.scatter.add.f32 [tilespmem:s17], [sflag:$0x5], $0x40, s18, s19, $0xb8;
	[tilespmem:$0x1E440] =	vst v63  }
0x6d: {  	s22 =	simm.s32 $0x100  }
0x6e: {  	[tilespmem:s24], [sflag:$0x3] =	stream.indirect.gather [spmem:s2], $0x40, s22, s19, $0xb8;
	[tilespmem:$0x1E440] =	vst v63  }
0x6f: {  	_ =	swait.ge [sflag:s26], $0x2000  }
0x70: {  	[sflag:s26] =	ssyncset.done $0x0  }
0x71: {  	[sflag:s26] =	ssyncadd.s32 $0xFFFFE000  }
0x72: {  	[spmem:s3] =	stream.indirect.scatter.add.f32 [tilespmem:s20], [sflag:$0x6], $0x40, s28, s19, $0xb8;
	[tilespmem:$0x1E440] =	vst v63  }
0x73: {  	_ = 	snop  }
0x74: {  	[tilespmem:s30], [sflag:$0x4] =	stream.indirect.gather [spmem:s2], $0x40, s29, s19, $0xb8;
	[tilespmem:$0x1E440] =	vst v63  }
0x75: {  	_ =	swait.ge [sflag:s31], $0x2000  }
0x76: {  	[sflag:s31] =	ssyncset.done $0x0  }
0x77: {  	[sflag:s31] =	ssyncadd.s32 $0xFFFFE000  }
0x78: {  	[spmem:s3] =	stream.indirect.scatter.add.f32 [tilespmem:s24], [sflag:$0x7], $0x40, s0, s19, $0xb8;
	[tilespmem:$0x1E440] =	vst v63  }
0x79: {  	_ =	swait.ge [sflag:s1], $0x2000  }
0x7a: {  	[sflag:s1] =	ssyncset.done $0x0  }
0x7b: {  	[sflag:s1] =	ssyncadd.s32 $0xFFFFE000  }
0x7c: {  	[tilespmem:s17], [sflag:$0x1] =	stream.indirect.gather [spmem:s2], $0x40, s4, s19, $0xb8;
	[tilespmem:$0x1E440] =	vst v63  }
0x7d: {  	_ =	swait.ge [sflag:s5], $0x2000  }
0x7e: {  	[sflag:s5] =	ssyncset.done $0x0  }
0x7f: {  	[sflag:s5] =	ssyncadd.s32 $0xFFFFE000  }
0x80: {  	[spmem:s3] =	stream.indirect.scatter.add.f32 [tilespmem:s30], [sflag:$0x8], $0x40, s10, s19, $0xb8;
	[tilespmem:$0x1E440] =	vst v63  }
0x81: {  	_ =	swait.ge [sflag:s11], $0x2000  }
0x82: {  	[sflag:s11] =	ssyncset.done $0x0  }
0x83: {  	s7 =	simm.s32 $0x0;
	[sflag:s11] =	ssyncadd.s32 $0xFFFFE000  }
0x84: {  	[tilespmem:s20], [sflag:$0x2] =	stream.indirect.gather [spmem:s2], $0x40, s12, s19, $0xb8;
	[tilespmem:$0x1E440] =	vst v63  }
.LBB2_5:
0x85: {  	_ =	swait.ge [sflag:s21], $0x2000  }
0x86: {  	s6 =	sshra.s32 s7, $0x2;
	[sflag:s21] =	ssyncset.done $0x0  }
0x87: {  	s15 =	sadd.s32 $0x1600, s6;
	[sflag:s21] =	ssyncadd.s32 $0xFFFFE000  }
0x88: {  	[spmem:s3] =	stream.indirect.scatter.add.f32 [tilespmem:s17], [sflag:$0x5], $0x40, s15, s19, $0xb8;
	[tilespmem:$0x1E440] =	vst v63  }
0x89: {  	_ =	swait.ge [sflag:s13], $0x2000  }
0x8a: {  	[sflag:s13] =	ssyncset.done $0x0  }
0x8b: {  	s22 =	sadd.s32 $0x300, s6;
	[sflag:s13] =	ssyncadd.s32 $0xFFFFE000  }
0x8c: {  	[tilespmem:s24], [sflag:$0x3] =	stream.indirect.gather [spmem:s2], $0x40, s22, s19, $0xb8;
	[tilespmem:$0x1E440] =	vst v63  }
0x8d: {  	_ =	swait.ge [sflag:s26], $0x2000  }
0x8e: {  	[sflag:s26] =	ssyncset.done $0x0  }
0x8f: {  	s22 =	sadd.s32 $0x1680, s6;
	[sflag:s26] =	ssyncadd.s32 $0xFFFFE000  }
0x90: {  	[spmem:s3] =	stream.indirect.scatter.add.f32 [tilespmem:s20], [sflag:$0x6], $0x40, s22, s19, $0xb8;
	[tilespmem:$0x1E440] =	vst v63  }
0x91: {  	_ =	swait.ge [sflag:s14], $0x2000  }
0x92: {  	[sflag:s14] =	ssyncset.done $0x0  }
0x93: {  	s22 =	sadd.s32 $0x380, s6;
	[sflag:s14] =	ssyncadd.s32 $0xFFFFE000  }
0x94: {  	[tilespmem:s30], [sflag:$0x4] =	stream.indirect.gather [spmem:s2], $0x40, s22, s19, $0xb8;
	[tilespmem:$0x1E440] =	vst v63  }
0x95: {  	_ =	swait.ge [sflag:s31], $0x2000  }
0x96: {  	p0 =	seq.s32 s7, $0x4000;
	[sflag:s31] =	ssyncset.done $0x0  }
.Ltmp5:
0x97: {  	s22 =	sadd.s32 $0x1700, s6;
	[sflag:s31] =	ssyncadd.s32 $0xFFFFE000;
	(pc) =	sbr.rel @p0 .LBB2_7-.Ltmp5, $4  }
0x98: {  	[spmem:s3] =	stream.indirect.scatter.add.f32 [tilespmem:s24], [sflag:$0x7], $0x40, s22, s19, $0xb8;
	[tilespmem:$0x1E440] =	vst v63  }
0x99: {  	_ =	swait.ge [sflag:s1], $0x2000  }
0x9a: {  	[sflag:s1] =	ssyncset.done $0x0  }
0x9b: {  	s15 =	sadd.s32 $0x1780, s6;
	[sflag:s1] =	ssyncadd.s32 $0xFFFFE000  }
0x9c: {  	s22 =	sadd.s32 $0x400, s6  }
0x9d: {  	[tilespmem:s17], [sflag:$0x1] =	stream.indirect.gather [spmem:s2], $0x40, s22, s19, $0xb8;
	[tilespmem:$0x1E440] =	vst v63  }
0x9e: {  	_ =	swait.ge [sflag:s5], $0x2000  }
0x9f: {  	[sflag:s5] =	ssyncset.done $0x0  }
0xa0: {  	[sflag:s5] =	ssyncadd.s32 $0xFFFFE000  }
0xa1: {  	[spmem:s3] =	stream.indirect.scatter.add.f32 [tilespmem:s30], [sflag:$0x8], $0x40, s15, s19, $0xb8;
	[tilespmem:$0x1E440] =	vst v63  }
.Ltmp6:
0xa2: {  	_ = 	snop;
	(pc) =	sbr.rel .LBB2_5-.Ltmp6, $4  }
0xa3: {  	_ =	swait.ge [sflag:s11], $0x2000  }
0xa4: {  	[sflag:s11] =	ssyncset.done $0x0  }
0xa5: {  	s7 =	sadd.s32 $0x800, s7;
	s22 =	sadd.s32 $0x480, s6;
	[sflag:s11] =	ssyncadd.s32 $0xFFFFE000  }
0xa6: {  	[tilespmem:s20], [sflag:$0x2] =	stream.indirect.gather [spmem:s2], $0x40, s22, s19, $0xb8;
	[tilespmem:$0x1E440] =	vst v63  }
.LBB2_9:
0xa7: {  	_ =	sfence.sel $0x180000  }
0xa8: {  	[bflag:$0x0] =	sbarrier.arrive $0xFFFF  }
0xa9: {  	_ =	strace $0x9000004A  }
0xaa: {  	s0 =	stileid.u32;
	[bflag:$0x2] =	sbarrier.arrive $0xFFFF  }
0xab: {  	p0 =	sne.s32 s0, $0x0;
	s0 =	rddreg [dreg:$0x4]  }
0xac: {  	s0 =	sadd.s32 @!p0 $0x100000, s0  }
0xad: {  	[sflag:s0] =	ssyncadd.tile.s32 @!p0 $0x1;
	_ =	shalt  }
.Lfunc_end2:
_tile_overlayer_lowered:
.L_overlay_start_2:
0xae: {  	(tag) =	ssettag $0x2  }
0xaf: {  	s0 =	rddreg [dreg:$0x0];
	s2 =	stileid.u32  }
0xb0: {  	s1 =	rddreg [dreg:$0x1];
	p0 =	sne.s32 s2, $0x0  }
0xb1: {  	s3 =	rddreg [dreg:$0x2];
	[bflag:$0x3] =	sbarrier.arrive $0xFFFF;
	s2 =	simm.s32 @!p0 $0x1C09  }
0xb2: {  	[timem:s3], [sflag:s2] =	dma.local @!p0 [hbm:s0], s1  }
0xb3: {  	s0 =	simm.s32 @!p0 $0x9  }
0xb4: {  	_ =	swait.ge @!p0 [sflag:s0], s1  }
0xb5: {  	s1 =	ssub.s32 @!p0 $0x0, s1;
	[sflag:s0] =	ssyncset.done @!p0 $0x0  }
0xb6: {  	[sflag:s0] =	ssyncadd.s32 @!p0 s1  }
0xb7: {  	[bflag:$0x3] =	sbarrier.arrive $0xFFFF  }
0xb8: {  	_ =	shalt  }

</sc_bundles>
